<compile_context>
chip_gen: v7x
topology: tpu7x:2x2x1
jax: 0.10.2.dev20260603
libtpu: 0.0.44.dev20260713+nightly
codegen_flags: <defaults>
</compile_context>

<pallas_src>
import functools

import jax
import jax.numpy as jnp
from jax import lax
from jax.experimental import pallas as pl
from jax.experimental.pallas import tpu as pltpu
from jax.experimental.pallas import tpu_sc as plsc

N_NODES = 10000
N_EDGES = 320000
D = 128

NC = 2
NS = 16
NW = NC * NS

E_PER_W = N_EDGES // NW
CHUNK = 40
N_CHUNKS = E_PER_W // CHUNK
NR = 7
NG = NR - 2
NI = 14
UNROLL = 14

N_ACC = 10008

ROWS_PER_TILE = 624
ZERO_TAIL = N_ACC - NS * ROWS_PER_TILE
OUT_TAIL = N_NODES - NS * ROWS_PER_TILE


def _sc_segment_sum(x, src_idx, dst_idx, zeros):
    mesh = plsc.VectorSubcoreMesh(core_axis_name="c", subcore_axis_name="s")

    @functools.partial(
        pl.kernel,
        out_type=jax.ShapeDtypeStruct((NC, N_NODES, D), jnp.float32),
        mesh=mesh,
        scratch_types=(
            [pltpu.VMEM_SHARED((N_ACC, D), jnp.float32)]
            + [pltpu.VMEM((CHUNK,), jnp.int32)] * NI
            + [pltpu.VMEM((CHUNK,), jnp.int32)] * NI
            + [pltpu.VMEM((CHUNK, D), jnp.float32)] * NR
            + [pltpu.SemaphoreType.DMA] * (NI + 2 * NR + 1)
        ),
    )
    def body(x_hbm, src_hbm, dst_hbm, z_hbm, out_hbm, agg_sh, *scr):
        iss = scr[:NI]
        ids = scr[NI:2 * NI]
        rbs = scr[2 * NI:2 * NI + NR]
        sis = scr[2 * NI + NR:3 * NI + NR]
        sgs = scr[3 * NI + NR:3 * NI + 2 * NR]
        sss = scr[3 * NI + 2 * NR:3 * NI + 3 * NR]
        sz = scr[-1]
        c = lax.axis_index("c")
        s = lax.axis_index("s")
        wid = c * NS + s

        row0 = s * ROWS_PER_TILE
        pltpu.async_copy(z_hbm.at[pl.ds(row0, ROWS_PER_TILE), :],
                         agg_sh.at[pl.ds(row0, ROWS_PER_TILE), :], sz)

        @pl.when(s == NS - 1)
        def _zero_tail():
            pltpu.sync_copy(z_hbm.at[pl.ds(NS * ROWS_PER_TILE, ZERO_TAIL), :],
                            agg_sh.at[pl.ds(NS * ROWS_PER_TILE, ZERO_TAIL), :])

        ebase = wid * E_PER_W

        def idx_start(i, j):
            @pl.when(i < N_CHUNKS)
            def _():
                off = ebase + i * CHUNK
                pltpu.async_copy(src_hbm.at[pl.ds(off, CHUNK)], iss[j],
                                 sis[j])
                pltpu.async_copy(dst_hbm.at[pl.ds(off, CHUNK)], ids[j],
                                 sis[j])

        def idx_wait(j):
            pltpu.make_async_copy(src_hbm.at[pl.ds(0, CHUNK)], iss[j],
                                  sis[j]).wait()
            pltpu.make_async_copy(dst_hbm.at[pl.ds(0, CHUNK)], ids[j],
                                  sis[j]).wait()

        def gather_start(j, b):
            pltpu.async_copy(x_hbm.at[iss[j]], rbs[b], sgs[b])

        def gather_wait(j, b):
            pltpu.make_async_copy(x_hbm.at[iss[j]], rbs[b], sgs[b]).wait()

        def scatter_start(j, b):
            pltpu.async_copy(rbs[b], agg_sh.at[ids[j]], sss[b], add=True)

        def scatter_wait(j, b):
            pltpu.make_async_copy(rbs[b], agg_sh.at[ids[j]], sss[b]).wait()

        for m in range(NG + 4):
            idx_start(m, m % NI)
        for m in range(NG):
            idx_wait(m % NI)
            gather_start(m % NI, m % NR)

        pltpu.make_async_copy(z_hbm.at[pl.ds(row0, ROWS_PER_TILE), :],
                              agg_sh.at[pl.ds(row0, ROWS_PER_TILE), :],
                              sz).wait()
        plsc.subcore_barrier()

        def ring_step(q, carry):
            i0 = q * UNROLL
            for k in range(UNROLL):
                i = i0 + k
                b, j = k % NR, k % NI
                bd, jd = (k + NR - 2) % NR, (k + NI - 2) % NI
                bg, jg = (k + NG) % NR, (k + NG) % NI

                @pl.when(i < N_CHUNKS)
                def _cur():
                    gather_wait(j, b)
                    scatter_start(j, b)

                @pl.when(jnp.logical_and(i >= 2, i - 2 < N_CHUNKS))
                def _drain():
                    scatter_wait(jd, bd)

                idx_start(i + NG + 4, (k + NG + 4) % NI)

                @pl.when(i + NG < N_CHUNKS)
                def _nxt():
                    idx_wait(jg)
                    gather_start(jg, bg)
            return carry

        lax.fori_loop(0, (N_CHUNKS + 2 + UNROLL - 1) // UNROLL, ring_step, 0)
        plsc.subcore_barrier()

        pltpu.sync_copy(agg_sh.at[pl.ds(row0, ROWS_PER_TILE), :],
                        out_hbm.at[c, pl.ds(row0, ROWS_PER_TILE), :])

        @pl.when(s == NS - 1)
        def _out_tail():
            pltpu.sync_copy(agg_sh.at[pl.ds(NS * ROWS_PER_TILE, OUT_TAIL), :],
                            out_hbm.at[c, pl.ds(NS * ROWS_PER_TILE, OUT_TAIL), :])

    return body(x, src_idx, dst_idx, zeros)


def _tc_update(agg2, x, W, W_root, b2):
    BLK = 2000

    def body(a_ref, x_ref, w_ref, wr_ref, b_ref, o_ref):
        agg = a_ref[0] + a_ref[1]
        acc = jnp.dot(agg, w_ref[...], preferred_element_type=jnp.float32)
        acc = acc + jnp.dot(x_ref[...], wr_ref[...],
                            preferred_element_type=jnp.float32)
        o_ref[...] = acc + b_ref[...]

    return pl.pallas_call(
        body,
        grid=(N_NODES // BLK,),
        in_specs=[
            pl.BlockSpec((NC, BLK, D), lambda i: (0, i, 0)),
            pl.BlockSpec((BLK, D), lambda i: (i, 0)),
            pl.BlockSpec((D, D), lambda i: (0, 0)),
            pl.BlockSpec((D, D), lambda i: (0, 0)),
            pl.BlockSpec((1, D), lambda i: (0, 0)),
        ],
        out_specs=pl.BlockSpec((BLK, D), lambda i: (i, 0)),
        out_shape=jax.ShapeDtypeStruct((N_NODES, D), jnp.float32),
    )(agg2, x, W, W_root, b2)


def kernel(x, edge_index, W, W_root, b):
    zeros = jnp.zeros((N_ACC, D), jnp.float32)
    agg2 = _sc_segment_sum(x, edge_index[0], edge_index[1], zeros)
    return _tc_update(agg2, x, W, W_root, b.reshape(1, D))

# --- scband reference (transcript-rebuilt; emitter-appended) ---
"""Pipeline reference for scband-csr-39041252720867 (READ-ONLY COPY).

The authoritative reference and input builder live on the scoring server;
editing this copy changes nothing except your own understanding.
"""

import jax, jax.numpy as jnp
import numpy as np

N_NODES = 10000
N_EDGES = 320000
D_IN = 128
D_OUT = 128


def setup_inputs(seed: int = 0) -> dict:
    key = jax.random.key(seed)
    k1, k2, k3, k4, k5 = jax.random.split(key, 5)
    x = jax.random.normal(k1, (N_NODES, D_IN), dtype=jnp.float32)
    edge_index = jax.random.randint(k2, (2, N_EDGES), 0, N_NODES, dtype=jnp.int32)
    W = jax.random.normal(k3, (D_IN, D_OUT), dtype=jnp.float32) * (1.0 / np.sqrt(D_IN))
    W_root = jax.random.normal(k4, (D_IN, D_OUT), dtype=jnp.float32) * (1.0 / np.sqrt(D_IN))
    b = jax.random.normal(k5, (D_OUT,), dtype=jnp.float32) * 0.01
    return {"x": x, "edge_index": edge_index, "W": W, "W_root": W_root, "b": b}


def reference(x, edge_index, W, W_root, b):
    # MessagePassing layer (GraphConv-style, add aggregation):
    # message: gather source node features along edges
    # aggregate: scatter-add into destination nodes
    # update: linear transform of aggregated neighbors + root transform + bias
    src = edge_index[0]
    dst = edge_index[1]
    msg = jnp.take(x, src, axis=0)                       # gather [E, D_IN]
    agg = jax.ops.segment_sum(msg, dst, num_segments=x.shape[0])  # scatter-add [N, D_IN]
    out = agg @ W + x @ W_root + b                        # [N, D_OUT]
    return out

if __name__ == "__main__":
    import jax
    _d = setup_inputs()
    print(jax.jit(kernel)(*tuple(_d.values())))

</pallas_src>

<mosaic_0001>
#map = affine_map<(d0, d1) -> (0, 0)>
#map1 = affine_map<(d0, d1) -> (0)>
#map2 = affine_map<(d0, d1) -> (0, 0, 0)>
module attributes {stable_mosaic.version = 14 : i64} {
  func.func @body(%arg0: i32, %arg1: i32, %arg2: memref<10000x128xf32, #tpu.memory_space<hbm>>, %arg3: memref<320000xi32, #tpu.memory_space<hbm>>, %arg4: memref<320000xi32, #tpu.memory_space<hbm>>, %arg5: memref<10008x128xf32, #tpu.memory_space<hbm>>, %arg6: memref<2x10000x128xf32, #tpu.memory_space<hbm>>, %arg7: memref<10008x128xf32, #tpu.memory_space<vmem_shared>>, %arg8: memref<40xi32, #tpu.memory_space<vmem>>, %arg9: memref<40xi32, #tpu.memory_space<vmem>>, %arg10: memref<40xi32, #tpu.memory_space<vmem>>, %arg11: memref<40xi32, #tpu.memory_space<vmem>>, %arg12: memref<40xi32, #tpu.memory_space<vmem>>, %arg13: memref<40xi32, #tpu.memory_space<vmem>>, %arg14: memref<40xi32, #tpu.memory_space<vmem>>, %arg15: memref<40xi32, #tpu.memory_space<vmem>>, %arg16: memref<40xi32, #tpu.memory_space<vmem>>, %arg17: memref<40xi32, #tpu.memory_space<vmem>>, %arg18: memref<40xi32, #tpu.memory_space<vmem>>, %arg19: memref<40xi32, #tpu.memory_space<vmem>>, %arg20: memref<40xi32, #tpu.memory_space<vmem>>, %arg21: memref<40xi32, #tpu.memory_space<vmem>>, %arg22: memref<40xi32, #tpu.memory_space<vmem>>, %arg23: memref<40xi32, #tpu.memory_space<vmem>>, %arg24: memref<40xi32, #tpu.memory_space<vmem>>, %arg25: memref<40xi32, #tpu.memory_space<vmem>>, %arg26: memref<40xi32, #tpu.memory_space<vmem>>, %arg27: memref<40xi32, #tpu.memory_space<vmem>>, %arg28: memref<40xi32, #tpu.memory_space<vmem>>, %arg29: memref<40xi32, #tpu.memory_space<vmem>>, %arg30: memref<40xi32, #tpu.memory_space<vmem>>, %arg31: memref<40xi32, #tpu.memory_space<vmem>>, %arg32: memref<40xi32, #tpu.memory_space<vmem>>, %arg33: memref<40xi32, #tpu.memory_space<vmem>>, %arg34: memref<40xi32, #tpu.memory_space<vmem>>, %arg35: memref<40xi32, #tpu.memory_space<vmem>>, %arg36: memref<40x128xf32, #tpu.memory_space<vmem>>, %arg37: memref<40x128xf32, #tpu.memory_space<vmem>>, %arg38: memref<40x128xf32, #tpu.memory_space<vmem>>, %arg39: memref<40x128xf32, #tpu.memory_space<vmem>>, %arg40: memref<40x128xf32, #tpu.memory_space<vmem>>, %arg41: memref<40x128xf32, #tpu.memory_space<vmem>>, %arg42: memref<40x128xf32, #tpu.memory_space<vmem>>, %arg43: memref<!tpu.dma_semaphore, #tpu.memory_space<semaphore_mem>>, %arg44: memref<!tpu.dma_semaphore, #tpu.memory_space<semaphore_mem>>, %arg45: memref<!tpu.dma_semaphore, #tpu.memory_space<semaphore_mem>>, %arg46: memref<!tpu.dma_semaphore, #tpu.memory_space<semaphore_mem>>, %arg47: memref<!tpu.dma_semaphore, #tpu.memory_space<semaphore_mem>>, %arg48: memref<!tpu.dma_semaphore, #tpu.memory_space<semaphore_mem>>, %arg49: memref<!tpu.dma_semaphore, #tpu.memory_space<semaphore_mem>>, %arg50: memref<!tpu.dma_semaphore, #tpu.memory_space<semaphore_mem>>, %arg51: memref<!tpu.dma_semaphore, #tpu.memory_space<semaphore_mem>>, %arg52: memref<!tpu.dma_semaphore, #tpu.memory_space<semaphore_mem>>, %arg53: memref<!tpu.dma_semaphore, #tpu.memory_space<semaphore_mem>>, %arg54: memref<!tpu.dma_semaphore, #tpu.memory_space<semaphore_mem>>, %arg55: memref<!tpu.dma_semaphore, #tpu.memory_space<semaphore_mem>>, %arg56: memref<!tpu.dma_semaphore, #tpu.memory_space<semaphore_mem>>, %arg57: memref<!tpu.dma_semaphore, #tpu.memory_space<semaphore_mem>>, %arg58: memref<!tpu.dma_semaphore, #tpu.memory_space<semaphore_mem>>, %arg59: memref<!tpu.dma_semaphore, #tpu.memory_space<semaphore_mem>>, %arg60: memref<!tpu.dma_semaphore, #tpu.memory_space<semaphore_mem>>, %arg61: memref<!tpu.dma_semaphore, #tpu.memory_space<semaphore_mem>>, %arg62: memref<!tpu.dma_semaphore, #tpu.memory_space<semaphore_mem>>, %arg63: memref<!tpu.dma_semaphore, #tpu.memory_space<semaphore_mem>>, %arg64: memref<!tpu.dma_semaphore, #tpu.memory_space<semaphore_mem>>, %arg65: memref<!tpu.dma_semaphore, #tpu.memory_space<semaphore_mem>>, %arg66: memref<!tpu.dma_semaphore, #tpu.memory_space<semaphore_mem>>, %arg67: memref<!tpu.dma_semaphore, #tpu.memory_space<semaphore_mem>>, %arg68: memref<!tpu.dma_semaphore, #tpu.memory_space<semaphore_mem>>, %arg69: memref<!tpu.dma_semaphore, #tpu.memory_space<semaphore_mem>>, %arg70: memref<!tpu.dma_semaphore, #tpu.memory_space<semaphore_mem>>, %arg71: memref<!tpu.dma_semaphore, #tpu.memory_space<semaphore_mem>>) attributes {dimension_semantics = [#tpu.dimension_semantics<core_parallel>, #tpu.dimension_semantics<subcore_parallel>], iteration_bounds = array<i64: 2, 16>, scalar_prefetch = 0 : i64, scratch_operands = 65 : i64, tpu.core_type = #tpu.core_type<sc_vector_subcore>, window_params = [{transform_indices = #map}, {transform_indices = #map1}, {transform_indices = #map1}, {transform_indices = #map}, {transform_indices = #map2}]} {
    %mul3A = arith.constant 16 : i32
    %mul3A_0 = arith.muli %arg0, %mul3A : i32
    %add3A = arith.addi %mul3A_0, %arg1 : i32
    %mul3A_1 = arith.constant 624 : i32
    %mul3A_2 = arith.muli %arg1, %mul3A_1 : i32
    %dma_start3A = arith.constant 0 : i32
    %dma_start3A_3 = tpu.memref_slice %arg7[%mul3A_2, %dma_start3A] : memref<10008x128xf32, #tpu.memory_space<vmem_shared>> -> memref<624x128xf32, #tpu.memory_space<vmem_shared>>
    %dma_start3A_4 = arith.constant 0 : i32
    %dma_start3A_5 = tpu.memref_slice %arg5[%mul3A_2, %dma_start3A_4] : memref<10008x128xf32, #tpu.memory_space<hbm>> -> memref<624x128xf32, #tpu.memory_space<hbm>>
    tpu.enqueue_dma source(%dma_start3A_5 : memref<624x128xf32, #tpu.memory_space<hbm>>) target(%dma_start3A_3 : memref<624x128xf32, #tpu.memory_space<vmem_shared>>) target_semaphore(%arg71 : memref<!tpu.dma_semaphore, #tpu.memory_space<semaphore_mem>>)
    %eq3A = arith.constant 15 : i32
    %eq3A_6 = arith.cmpi eq, %arg1, %eq3A : i32
    %convert_element_type3A = arith.extui %eq3A_6 : i1 to i32
    %cond3A = arith.constant 0 : i32
    %cond3A_7 = arith.cmpi ne, %convert_element_type3A, %cond3A : i32
    scf.if %cond3A_7 {
      "tpu.region"() ({
        %run_scoped3A = tpu.sem_alloc : memref<!tpu.dma_semaphore, #tpu.memory_space<semaphore_mem>>
        %dma_start3A_133 = arith.constant 9984 : i32
        %dma_start3A_134 = arith.constant 0 : i32
        %dma_start3A_135 = tpu.memref_slice %arg7[%dma_start3A_133, %dma_start3A_134] : memref<10008x128xf32, #tpu.memory_space<vmem_shared>> -> memref<24x128xf32, #tpu.memory_space<vmem_shared>>
        %dma_start3A_136 = arith.constant 9984 : i32
        %dma_start3A_137 = arith.constant 0 : i32
        %dma_start3A_138 = tpu.memref_slice %arg5[%dma_start3A_136, %dma_start3A_137] : memref<10008x128xf32, #tpu.memory_space<hbm>> -> memref<24x128xf32, #tpu.memory_space<hbm>>
        tpu.enqueue_dma source(%dma_start3A_138 : memref<24x128xf32, #tpu.memory_space<hbm>>) target(%dma_start3A_135 : memref<24x128xf32, #tpu.memory_space<vmem_shared>>) target_semaphore(%run_scoped3A : memref<!tpu.dma_semaphore, #tpu.memory_space<semaphore_mem>>)
        %dma_wait3A_139 = arith.constant 9984 : i32
        %dma_wait3A_140 = arith.constant 0 : i32
        %dma_wait3A_141 = tpu.memref_slice %arg7[%dma_wait3A_139, %dma_wait3A_140] : memref<10008x128xf32, #tpu.memory_space<vmem_shared>> -> memref<24x128xf32, #tpu.memory_space<vmem_shared>>
        %dma_wait3A_142 = arith.constant 9984 : i32
        %dma_wait3A_143 = arith.constant 0 : i32
        %dma_wait3A_144 = tpu.memref_slice %arg5[%dma_wait3A_142, %dma_wait3A_143] : memref<10008x128xf32, #tpu.memory_space<hbm>> -> memref<24x128xf32, #tpu.memory_space<hbm>>
        tpu.wait_dma2 semaphore(%run_scoped3A : memref<!tpu.dma_semaphore, #tpu.memory_space<semaphore_mem>>) src(%dma_wait3A_144 : memref<24x128xf32, #tpu.memory_space<hbm>>) dst(%dma_wait3A_141 : memref<24x128xf32, #tpu.memory_space<vmem_shared>>)
        tpu.yield
      }) : () -> ()
    } else {
    }
    %mul3A_8 = arith.constant 10000 : i32
    %mul3A_9 = arith.muli %add3A, %mul3A_8 : i32
    %add3A_10 = arith.constant 0 : i32
    %add3A_11 = arith.addi %mul3A_9, %add3A_10 : i32
    %dma_start3A_12 = tpu.memref_slice %arg3[%add3A_11] : memref<320000xi32, #tpu.memory_space<hbm>> -> memref<40xi32, #tpu.memory_space<hbm>>
    %dma_start3A_13 = tpu.memref_slice %arg3[%add3A_11] : memref<320000xi32, #tpu.memory_space<hbm>> -> memref<40xi32, #tpu.memory_space<hbm>>
    tpu.enqueue_dma source(%dma_start3A_13 : memref<40xi32, #tpu.memory_space<hbm>>) target(%arg8 : memref<40xi32, #tpu.memory_space<vmem>>) target_semaphore(%arg43 : memref<!tpu.dma_semaphore, #tpu.memory_space<semaphore_mem>>)
    %dma_start3A_14 = tpu.memref_slice %arg4[%add3A_11] : memref<320000xi32, #tpu.memory_space<hbm>> -> memref<40xi32, #tpu.memory_space<hbm>>
    %dma_start3A_15 = tpu.memref_slice %arg4[%add3A_11] : memref<320000xi32, #tpu.memory_space<hbm>> -> memref<40xi32, #tpu.memory_space<hbm>>
    tpu.enqueue_dma source(%dma_start3A_15 : memref<40xi32, #tpu.memory_space<hbm>>) target(%arg22 : memref<40xi32, #tpu.memory_space<vmem>>) target_semaphore(%arg43 : memref<!tpu.dma_semaphore, #tpu.memory_space<semaphore_mem>>)
    %add3A_16 = arith.constant 40 : i32
    %add3A_17 = arith.addi %mul3A_9, %add3A_16 : i32
    %dma_start3A_18 = tpu.memref_slice %arg3[%add3A_17] : memref<320000xi32, #tpu.memory_space<hbm>> -> memref<40xi32, #tpu.memory_space<hbm>>
    %dma_start3A_19 = tpu.memref_slice %arg3[%add3A_17] : memref<320000xi32, #tpu.memory_space<hbm>> -> memref<40xi32, #tpu.memory_space<hbm>>
    tpu.enqueue_dma source(%dma_start3A_19 : memref<40xi32, #tpu.memory_space<hbm>>) target(%arg9 : memref<40xi32, #tpu.memory_space<vmem>>) target_semaphore(%arg44 : memref<!tpu.dma_semaphore, #tpu.memory_space<semaphore_mem>>)
    %dma_start3A_20 = tpu.memref_slice %arg4[%add3A_17] : memref<320000xi32, #tpu.memory_space<hbm>> -> memref<40xi32, #tpu.memory_space<hbm>>
    %dma_start3A_21 = tpu.memref_slice %arg4[%add3A_17] : memref<320000xi32, #tpu.memory_space<hbm>> -> memref<40xi32, #tpu.memory_space<hbm>>
    tpu.enqueue_dma source(%dma_start3A_21 : memref<40xi32, #tpu.memory_space<hbm>>) target(%arg23 : memref<40xi32, #tpu.memory_space<vmem>>) target_semaphore(%arg44 : memref<!tpu.dma_semaphore, #tpu.memory_space<semaphore_mem>>)
    %add3A_22 = arith.constant 80 : i32
    %add3A_23 = arith.addi %mul3A_9, %add3A_22 : i32
    %dma_start3A_24 = tpu.memref_slice %arg3[%add3A_23] : memref<320000xi32, #tpu.memory_space<hbm>> -> memref<40xi32, #tpu.memory_space<hbm>>
    %dma_start3A_25 = tpu.memref_slice %arg3[%add3A_23] : memref<320000xi32, #tpu.memory_space<hbm>> -> memref<40xi32, #tpu.memory_space<hbm>>
    tpu.enqueue_dma source(%dma_start3A_25 : memref<40xi32, #tpu.memory_space<hbm>>) target(%arg10 : memref<40xi32, #tpu.memory_space<vmem>>) target_semaphore(%arg45 : memref<!tpu.dma_semaphore, #tpu.memory_space<semaphore_mem>>)
    %dma_start3A_26 = tpu.memref_slice %arg4[%add3A_23] : memref<320000xi32, #tpu.memory_space<hbm>> -> memref<40xi32, #tpu.memory_space<hbm>>
    %dma_start3A_27 = tpu.memref_slice %arg4[%add3A_23] : memref<320000xi32, #tpu.memory_space<hbm>> -> memref<40xi32, #tpu.memory_space<hbm>>
    tpu.enqueue_dma source(%dma_start3A_27 : memref<40xi32, #tpu.memory_space<hbm>>) target(%arg24 : memref<40xi32, #tpu.memory_space<vmem>>) target_semaphore(%arg45 : memref<!tpu.dma_semaphore, #tpu.memory_space<semaphore_mem>>)
    %add3A_28 = arith.constant 120 : i32
    %add3A_29 = arith.addi %mul3A_9, %add3A_28 : i32
    %dma_start3A_30 = tpu.memref_slice %arg3[%add3A_29] : memref<320000xi32, #tpu.memory_space<hbm>> -> memref<40xi32, #tpu.memory_space<hbm>>
    %dma_start3A_31 = tpu.memref_slice %arg3[%add3A_29] : memref<320000xi32, #tpu.memory_space<hbm>> -> memref<40xi32, #tpu.memory_space<hbm>>
    tpu.enqueue_dma source(%dma_start3A_31 : memref<40xi32, #tpu.memory_space<hbm>>) target(%arg11 : memref<40xi32, #tpu.memory_space<vmem>>) target_semaphore(%arg46 : memref<!tpu.dma_semaphore, #tpu.memory_space<semaphore_mem>>)
    %dma_start3A_32 = tpu.memref_slice %arg4[%add3A_29] : memref<320000xi32, #tpu.memory_space<hbm>> -> memref<40xi32, #tpu.memory_space<hbm>>
    %dma_start3A_33 = tpu.memref_slice %arg4[%add3A_29] : memref<320000xi32, #tpu.memory_space<hbm>> -> memref<40xi32, #tpu.memory_space<hbm>>
    tpu.enqueue_dma source(%dma_start3A_33 : memref<40xi32, #tpu.memory_space<hbm>>) target(%arg25 : memref<40xi32, #tpu.memory_space<vmem>>) target_semaphore(%arg46 : memref<!tpu.dma_semaphore, #tpu.memory_space<semaphore_mem>>)
    %add3A_34 = arith.constant 160 : i32
    %add3A_35 = arith.addi %mul3A_9, %add3A_34 : i32
    %dma_start3A_36 = tpu.memref_slice %arg3[%add3A_35] : memref<320000xi32, #tpu.memory_space<hbm>> -> memref<40xi32, #tpu.memory_space<hbm>>
    %dma_start3A_37 = tpu.memref_slice %arg3[%add3A_35] : memref<320000xi32, #tpu.memory_space<hbm>> -> memref<40xi32, #tpu.memory_space<hbm>>
    tpu.enqueue_dma source(%dma_start3A_37 : memref<40xi32, #tpu.memory_space<hbm>>) target(%arg12 : memref<40xi32, #tpu.memory_space<vmem>>) target_semaphore(%arg47 : memref<!tpu.dma_semaphore, #tpu.memory_space<semaphore_mem>>)
    %dma_start3A_38 = tpu.memref_slice %arg4[%add3A_35] : memref<320000xi32, #tpu.memory_space<hbm>> -> memref<40xi32, #tpu.memory_space<hbm>>
    %dma_start3A_39 = tpu.memref_slice %arg4[%add3A_35] : memref<320000xi32, #tpu.memory_space<hbm>> -> memref<40xi32, #tpu.memory_space<hbm>>
    tpu.enqueue_dma source(%dma_start3A_39 : memref<40xi32, #tpu.memory_space<hbm>>) target(%arg26 : memref<40xi32, #tpu.memory_space<vmem>>) target_semaphore(%arg47 : memref<!tpu.dma_semaphore, #tpu.memory_space<semaphore_mem>>)
    %add3A_40 = arith.constant 200 : i32
    %add3A_41 = arith.addi %mul3A_9, %add3A_40 : i32
    %dma_start3A_42 = tpu.memref_slice %arg3[%add3A_41] : memref<320000xi32, #tpu.memory_space<hbm>> -> memref<40xi32, #tpu.memory_space<hbm>>
    %dma_start3A_43 = tpu.memref_slice %arg3[%add3A_41] : memref<320000xi32, #tpu.memory_space<hbm>> -> memref<40xi32, #tpu.memory_space<hbm>>
    tpu.enqueue_dma source(%dma_start3A_43 : memref<40xi32, #tpu.memory_space<hbm>>) target(%arg13 : memref<40xi32, #tpu.memory_space<vmem>>) target_semaphore(%arg48 : memref<!tpu.dma_semaphore, #tpu.memory_space<semaphore_mem>>)
    %dma_start3A_44 = tpu.memref_slice %arg4[%add3A_41] : memref<320000xi32, #tpu.memory_space<hbm>> -> memref<40xi32, #tpu.memory_space<hbm>>
    %dma_start3A_45 = tpu.memref_slice %arg4[%add3A_41] : memref<320000xi32, #tpu.memory_space<hbm>> -> memref<40xi32, #tpu.memory_space<hbm>>
    tpu.enqueue_dma source(%dma_start3A_45 : memref<40xi32, #tpu.memory_space<hbm>>) target(%arg27 : memref<40xi32, #tpu.memory_space<vmem>>) target_semaphore(%arg48 : memref<!tpu.dma_semaphore, #tpu.memory_space<semaphore_mem>>)
    %add3A_46 = arith.constant 240 : i32
    %add3A_47 = arith.addi %mul3A_9, %add3A_46 : i32
    %dma_start3A_48 = tpu.memref_slice %arg3[%add3A_47] : memref<320000xi32, #tpu.memory_space<hbm>> -> memref<40xi32, #tpu.memory_space<hbm>>
    %dma_start3A_49 = tpu.memref_slice %arg3[%add3A_47] : memref<320000xi32, #tpu.memory_space<hbm>> -> memref<40xi32, #tpu.memory_space<hbm>>
    tpu.enqueue_dma source(%dma_start3A_49 : memref<40xi32, #tpu.memory_space<hbm>>) target(%arg14 : memref<40xi32, #tpu.memory_space<vmem>>) target_semaphore(%arg49 : memref<!tpu.dma_semaphore, #tpu.memory_space<semaphore_mem>>)
    %dma_start3A_50 = tpu.memref_slice %arg4[%add3A_47] : memref<320000xi32, #tpu.memory_space<hbm>> -> memref<40xi32, #tpu.memory_space<hbm>>
    %dma_start3A_51 = tpu.memref_slice %arg4[%add3A_47] : memref<320000xi32, #tpu.memory_space<hbm>> -> memref<40xi32, #tpu.memory_space<hbm>>
    tpu.enqueue_dma source(%dma_start3A_51 : memref<40xi32, #tpu.memory_space<hbm>>) target(%arg28 : memref<40xi32, #tpu.memory_space<vmem>>) target_semaphore(%arg49 : memref<!tpu.dma_semaphore, #tpu.memory_space<semaphore_mem>>)
    %add3A_52 = arith.constant 280 : i32
    %add3A_53 = arith.addi %mul3A_9, %add3A_52 : i32
    %dma_start3A_54 = tpu.memref_slice %arg3[%add3A_53] : memref<320000xi32, #tpu.memory_space<hbm>> -> memref<40xi32, #tpu.memory_space<hbm>>
    %dma_start3A_55 = tpu.memref_slice %arg3[%add3A_53] : memref<320000xi32, #tpu.memory_space<hbm>> -> memref<40xi32, #tpu.memory_space<hbm>>
    tpu.enqueue_dma source(%dma_start3A_55 : memref<40xi32, #tpu.memory_space<hbm>>) target(%arg15 : memref<40xi32, #tpu.memory_space<vmem>>) target_semaphore(%arg50 : memref<!tpu.dma_semaphore, #tpu.memory_space<semaphore_mem>>)
    %dma_start3A_56 = tpu.memref_slice %arg4[%add3A_53] : memref<320000xi32, #tpu.memory_space<hbm>> -> memref<40xi32, #tpu.memory_space<hbm>>
    %dma_start3A_57 = tpu.memref_slice %arg4[%add3A_53] : memref<320000xi32, #tpu.memory_space<hbm>> -> memref<40xi32, #tpu.memory_space<hbm>>
    tpu.enqueue_dma source(%dma_start3A_57 : memref<40xi32, #tpu.memory_space<hbm>>) target(%arg29 : memref<40xi32, #tpu.memory_space<vmem>>) target_semaphore(%arg50 : memref<!tpu.dma_semaphore, #tpu.memory_space<semaphore_mem>>)
    %add3A_58 = arith.constant 320 : i32
    %add3A_59 = arith.addi %mul3A_9, %add3A_58 : i32
    %dma_start3A_60 = tpu.memref_slice %arg3[%add3A_59] : memref<320000xi32, #tpu.memory_space<hbm>> -> memref<40xi32, #tpu.memory_space<hbm>>
    %dma_start3A_61 = tpu.memref_slice %arg3[%add3A_59] : memref<320000xi32, #tpu.memory_space<hbm>> -> memref<40xi32, #tpu.memory_space<hbm>>
    tpu.enqueue_dma source(%dma_start3A_61 : memref<40xi32, #tpu.memory_space<hbm>>) target(%arg16 : memref<40xi32, #tpu.memory_space<vmem>>) target_semaphore(%arg51 : memref<!tpu.dma_semaphore, #tpu.memory_space<semaphore_mem>>)
    %dma_start3A_62 = tpu.memref_slice %arg4[%add3A_59] : memref<320000xi32, #tpu.memory_space<hbm>> -> memref<40xi32, #tpu.memory_space<hbm>>
    %dma_start3A_63 = tpu.memref_slice %arg4[%add3A_59] : memref<320000xi32, #tpu.memory_space<hbm>> -> memref<40xi32, #tpu.memory_space<hbm>>
    tpu.enqueue_dma source(%dma_start3A_63 : memref<40xi32, #tpu.memory_space<hbm>>) target(%arg30 : memref<40xi32, #tpu.memory_space<vmem>>) target_semaphore(%arg51 : memref<!tpu.dma_semaphore, #tpu.memory_space<semaphore_mem>>)
    %dma_wait3A = arith.constant 0 : i32
    %dma_wait3A_64 = tpu.memref_slice %arg3[%dma_wait3A] : memref<320000xi32, #tpu.memory_space<hbm>> -> memref<40xi32, #tpu.memory_space<hbm>>
    %dma_wait3A_65 = arith.constant 0 : i32
    %dma_wait3A_66 = tpu.memref_slice %arg3[%dma_wait3A_65] : memref<320000xi32, #tpu.memory_space<hbm>> -> memref<40xi32, #tpu.memory_space<hbm>>
    tpu.wait_dma2 semaphore(%arg43 : memref<!tpu.dma_semaphore, #tpu.memory_space<semaphore_mem>>) src(%dma_wait3A_66 : memref<40xi32, #tpu.memory_space<hbm>>) dst(%arg8 : memref<40xi32, #tpu.memory_space<vmem>>)
    %dma_wait3A_67 = arith.constant 0 : i32
    %dma_wait3A_68 = tpu.memref_slice %arg4[%dma_wait3A_67] : memref<320000xi32, #tpu.memory_space<hbm>> -> memref<40xi32, #tpu.memory_space<hbm>>
    %dma_wait3A_69 = arith.constant 0 : i32
    %dma_wait3A_70 = tpu.memref_slice %arg4[%dma_wait3A_69] : memref<320000xi32, #tpu.memory_space<hbm>> -> memref<40xi32, #tpu.memory_space<hbm>>
    tpu.wait_dma2 semaphore(%arg43 : memref<!tpu.dma_semaphore, #tpu.memory_space<semaphore_mem>>) src(%dma_wait3A_70 : memref<40xi32, #tpu.memory_space<hbm>>) dst(%arg22 : memref<40xi32, #tpu.memory_space<vmem>>)
    %dma_start3A_71 = arith.constant 0 : i32
    %dma_start3A_72 = arith.constant 0 : i32
    %dma_start3A_73 = tpu.memref_slice %arg2[%dma_start3A_71, %dma_start3A_72] : memref<10000x128xf32, #tpu.memory_space<hbm>> -> memref<10000x128xf32, #tpu.memory_space<hbm>>
    tpu.enqueue_indirect_dma source(%dma_start3A_73 : memref<10000x128xf32, #tpu.memory_space<hbm>>) target(%arg36 : memref<40x128xf32, #tpu.memory_space<vmem>>) offsets(%arg8 : memref<40xi32, #tpu.memory_space<vmem>>) semaphore(%arg57 : memref<!tpu.dma_semaphore, #tpu.memory_space<semaphore_mem>>)
    %dma_wait3A_74 = arith.constant 0 : i32
    %dma_wait3A_75 = tpu.memref_slice %arg3[%dma_wait3A_74] : memref<320000xi32, #tpu.memory_space<hbm>> -> memref<40xi32, #tpu.memory_space<hbm>>
    %dma_wait3A_76 = arith.constant 0 : i32
    %dma_wait3A_77 = tpu.memref_slice %arg3[%dma_wait3A_76] : memref<320000xi32, #tpu.memory_space<hbm>> -> memref<40xi32, #tpu.memory_space<hbm>>
    tpu.wait_dma2 semaphore(%arg44 : memref<!tpu.dma_semaphore, #tpu.memory_space<semaphore_mem>>) src(%dma_wait3A_77 : memref<40xi32, #tpu.memory_space<hbm>>) dst(%arg9 : memref<40xi32, #tpu.memory_space<vmem>>)
    %dma_wait3A_78 = arith.constant 0 : i32
    %dma_wait3A_79 = tpu.memref_slice %arg4[%dma_wait3A_78] : memref<320000xi32, #tpu.memory_space<hbm>> -> memref<40xi32, #tpu.memory_space<hbm>>
    %dma_wait3A_80 = arith.constant 0 : i32
    %dma_wait3A_81 = tpu.memref_slice %arg4[%dma_wait3A_80] : memref<320000xi32, #tpu.memory_space<hbm>> -> memref<40xi32, #tpu.memory_space<hbm>>
    tpu.wait_dma2 semaphore(%arg44 : memref<!tpu.dma_semaphore, #tpu.memory_space<semaphore_mem>>) src(%dma_wait3A_81 : memref<40xi32, #tpu.memory_space<hbm>>) dst(%arg23 : memref<40xi32, #tpu.memory_space<vmem>>)
    %dma_start3A_82 = arith.constant 0 : i32
    %dma_start3A_83 = arith.constant 0 : i32
    %dma_start3A_84 = tpu.memref_slice %arg2[%dma_start3A_82, %dma_start3A_83] : memref<10000x128xf32, #tpu.memory_space<hbm>> -> memref<10000x128xf32, #tpu.memory_space<hbm>>
    tpu.enqueue_indirect_dma source(%dma_start3A_84 : memref<10000x128xf32, #tpu.memory_space<hbm>>) target(%arg37 : memref<40x128xf32, #tpu.memory_space<vmem>>) offsets(%arg9 : memref<40xi32, #tpu.memory_space<vmem>>) semaphore(%arg58 : memref<!tpu.dma_semaphore, #tpu.memory_space<semaphore_mem>>)
    %dma_wait3A_85 = arith.constant 0 : i32
    %dma_wait3A_86 = tpu.memref_slice %arg3[%dma_wait3A_85] : memref<320000xi32, #tpu.memory_space<hbm>> -> memref<40xi32, #tpu.memory_space<hbm>>
    %dma_wait3A_87 = arith.constant 0 : i32
    %dma_wait3A_88 = tpu.memref_slice %arg3[%dma_wait3A_87] : memref<320000xi32, #tpu.memory_space<hbm>> -> memref<40xi32, #tpu.memory_space<hbm>>
    tpu.wait_dma2 semaphore(%arg45 : memref<!tpu.dma_semaphore, #tpu.memory_space<semaphore_mem>>) src(%dma_wait3A_88 : memref<40xi32, #tpu.memory_space<hbm>>) dst(%arg10 : memref<40xi32, #tpu.memory_space<vmem>>)
    %dma_wait3A_89 = arith.constant 0 : i32
    %dma_wait3A_90 = tpu.memref_slice %arg4[%dma_wait3A_89] : memref<320000xi32, #tpu.memory_space<hbm>> -> memref<40xi32, #tpu.memory_space<hbm>>
    %dma_wait3A_91 = arith.constant 0 : i32
    %dma_wait3A_92 = tpu.memref_slice %arg4[%dma_wait3A_91] : memref<320000xi32, #tpu.memory_space<hbm>> -> memref<40xi32, #tpu.memory_space<hbm>>
    tpu.wait_dma2 semaphore(%arg45 : memref<!tpu.dma_semaphore, #tpu.memory_space<semaphore_mem>>) src(%dma_wait3A_92 : memref<40xi32, #tpu.memory_space<hbm>>) dst(%arg24 : memref<40xi32, #tpu.memory_space<vmem>>)
    %dma_start3A_93 = arith.constant 0 : i32
    %dma_start3A_94 = arith.constant 0 : i32
    %dma_start3A_95 = tpu.memref_slice %arg2[%dma_start3A_93, %dma_start3A_94] : memref<10000x128xf32, #tpu.memory_space<hbm>> -> memref<10000x128xf32, #tpu.memory_space<hbm>>
    tpu.enqueue_indirect_dma source(%dma_start3A_95 : memref<10000x128xf32, #tpu.memory_space<hbm>>) target(%arg38 : memref<40x128xf32, #tpu.memory_space<vmem>>) offsets(%arg10 : memref<40xi32, #tpu.memory_space<vmem>>) semaphore(%arg59 : memref<!tpu.dma_semaphore, #tpu.memory_space<semaphore_mem>>)
    %dma_wait3A_96 = arith.constant 0 : i32
    %dma_wait3A_97 = tpu.memref_slice %arg3[%dma_wait3A_96] : memref<320000xi32, #tpu.memory_space<hbm>> -> memref<40xi32, #tpu.memory_space<hbm>>
    %dma_wait3A_98 = arith.constant 0 : i32
    %dma_wait3A_99 = tpu.memref_slice %arg3[%dma_wait3A_98] : memref<320000xi32, #tpu.memory_space<hbm>> -> memref<40xi32, #tpu.memory_space<hbm>>
    tpu.wait_dma2 semaphore(%arg46 : memref<!tpu.dma_semaphore, #tpu.memory_space<semaphore_mem>>) src(%dma_wait3A_99 : memref<40xi32, #tpu.memory_space<hbm>>) dst(%arg11 : memref<40xi32, #tpu.memory_space<vmem>>)
    %dma_wait3A_100 = arith.constant 0 : i32
    %dma_wait3A_101 = tpu.memref_slice %arg4[%dma_wait3A_100] : memref<320000xi32, #tpu.memory_space<hbm>> -> memref<40xi32, #tpu.memory_space<hbm>>
    %dma_wait3A_102 = arith.constant 0 : i32
    %dma_wait3A_103 = tpu.memref_slice %arg4[%dma_wait3A_102] : memref<320000xi32, #tpu.memory_space<hbm>> -> memref<40xi32, #tpu.memory_space<hbm>>
    tpu.wait_dma2 semaphore(%arg46 : memref<!tpu.dma_semaphore, #tpu.memory_space<semaphore_mem>>) src(%dma_wait3A_103 : memref<40xi32, #tpu.memory_space<hbm>>) dst(%arg25 : memref<40xi32, #tpu.memory_space<vmem>>)
    %dma_start3A_104 = arith.constant 0 : i32
    %dma_start3A_105 = arith.constant 0 : i32
    %dma_start3A_106 = tpu.memref_slice %arg2[%dma_start3A_104, %dma_start3A_105] : memref<10000x128xf32, #tpu.memory_space<hbm>> -> memref<10000x128xf32, #tpu.memory_space<hbm>>
    tpu.enqueue_indirect_dma source(%dma_start3A_106 : memref<10000x128xf32, #tpu.memory_space<hbm>>) target(%arg39 : memref<40x128xf32, #tpu.memory_space<vmem>>) offsets(%arg11 : memref<40xi32, #tpu.memory_space<vmem>>) semaphore(%arg60 : memref<!tpu.dma_semaphore, #tpu.memory_space<semaphore_mem>>)
    %dma_wait3A_107 = arith.constant 0 : i32
    %dma_wait3A_108 = tpu.memref_slice %arg3[%dma_wait3A_107] : memref<320000xi32, #tpu.memory_space<hbm>> -> memref<40xi32, #tpu.memory_space<hbm>>
    %dma_wait3A_109 = arith.constant 0 : i32
    %dma_wait3A_110 = tpu.memref_slice %arg3[%dma_wait3A_109] : memref<320000xi32, #tpu.memory_space<hbm>> -> memref<40xi32, #tpu.memory_space<hbm>>
    tpu.wait_dma2 semaphore(%arg47 : memref<!tpu.dma_semaphore, #tpu.memory_space<semaphore_mem>>) src(%dma_wait3A_110 : memref<40xi32, #tpu.memory_space<hbm>>) dst(%arg12 : memref<40xi32, #tpu.memory_space<vmem>>)
    %dma_wait3A_111 = arith.constant 0 : i32
    %dma_wait3A_112 = tpu.memref_slice %arg4[%dma_wait3A_111] : memref<320000xi32, #tpu.memory_space<hbm>> -> memref<40xi32, #tpu.memory_space<hbm>>
    %dma_wait3A_113 = arith.constant 0 : i32
    %dma_wait3A_114 = tpu.memref_slice %arg4[%dma_wait3A_113] : memref<320000xi32, #tpu.memory_space<hbm>> -> memref<40xi32, #tpu.memory_space<hbm>>
    tpu.wait_dma2 semaphore(%arg47 : memref<!tpu.dma_semaphore, #tpu.memory_space<semaphore_mem>>) src(%dma_wait3A_114 : memref<40xi32, #tpu.memory_space<hbm>>) dst(%arg26 : memref<40xi32, #tpu.memory_space<vmem>>)
    %dma_start3A_115 = arith.constant 0 : i32
    %dma_start3A_116 = arith.constant 0 : i32
    %dma_start3A_117 = tpu.memref_slice %arg2[%dma_start3A_115, %dma_start3A_116] : memref<10000x128xf32, #tpu.memory_space<hbm>> -> memref<10000x128xf32, #tpu.memory_space<hbm>>
    tpu.enqueue_indirect_dma source(%dma_start3A_117 : memref<10000x128xf32, #tpu.memory_space<hbm>>) target(%arg40 : memref<40x128xf32, #tpu.memory_space<vmem>>) offsets(%arg12 : memref<40xi32, #tpu.memory_space<vmem>>) semaphore(%arg61 : memref<!tpu.dma_semaphore, #tpu.memory_space<semaphore_mem>>)
    %dma_wait3A_118 = arith.constant 0 : i32
    %dma_wait3A_119 = tpu.memref_slice %arg7[%mul3A_2, %dma_wait3A_118] : memref<10008x128xf32, #tpu.memory_space<vmem_shared>> -> memref<624x128xf32, #tpu.memory_space<vmem_shared>>
    %dma_wait3A_120 = arith.constant 0 : i32
    %dma_wait3A_121 = tpu.memref_slice %arg5[%mul3A_2, %dma_wait3A_120] : memref<10008x128xf32, #tpu.memory_space<hbm>> -> memref<624x128xf32, #tpu.memory_space<hbm>>
    tpu.wait_dma2 semaphore(%arg71 : memref<!tpu.dma_semaphore, #tpu.memory_space<semaphore_mem>>) src(%dma_wait3A_121 : memref<624x128xf32, #tpu.memory_space<hbm>>) dst(%dma_wait3A_119 : memref<624x128xf32, #tpu.memory_space<vmem_shared>>)
    %barrier3A = arith.constant 0 : index
    tpu.barrier barrier_id(%barrier3A)
    %scan3A = arith.constant 0 : i32
    %scan3A_122 = arith.constant 0 : i32
    %scan3A_123 = arith.constant 18 : i32
    %scan3A_124 = arith.addi %scan3A_122, %scan3A_123 : i32
    %scan3A_125 = arith.constant 1 : i32
    scf.for %scan3A_133 = %scan3A_122 to %scan3A_124 step %scan3A_125  : i32 {
      %mul3A_134 = arith.constant 14 : i32
      %mul3A_135 = arith.muli %scan3A_133, %mul3A_134 : i32
      %add3A_136 = arith.constant 0 : i32
      %add3A_137 = arith.addi %mul3A_135, %add3A_136 : i32
      %lt3A = arith.constant 250 : i32
      %lt3A_138 = arith.cmpi slt, %add3A_137, %lt3A : i32
      %convert_element_type3A_139 = arith.extui %lt3A_138 : i1 to i32
      %cond3A_140 = arith.constant 0 : i32
      %cond3A_141 = arith.cmpi ne, %convert_element_type3A_139, %cond3A_140 : i32
      scf.if %cond3A_141 {
        %dma_wait3A_594 = arith.constant 0 : i32
        %dma_wait3A_595 = arith.constant 0 : i32
        %dma_wait3A_596 = tpu.memref_slice %arg2[%dma_wait3A_594, %dma_wait3A_595] : memref<10000x128xf32, #tpu.memory_space<hbm>> -> memref<10000x128xf32, #tpu.memory_space<hbm>>
        tpu.wait_indirect_dma semaphore(%arg57 : memref<!tpu.dma_semaphore, #tpu.memory_space<semaphore_mem>>) src(%dma_wait3A_596 : memref<10000x128xf32, #tpu.memory_space<hbm>>) dst(%arg36 : memref<40x128xf32, #tpu.memory_space<vmem>>)
        %dma_start3A_597 = arith.constant 0 : i32
        %dma_start3A_598 = arith.constant 0 : i32
        %dma_start3A_599 = tpu.memref_slice %arg7[%dma_start3A_597, %dma_start3A_598] : memref<10008x128xf32, #tpu.memory_space<vmem_shared>> -> memref<10008x128xf32, #tpu.memory_space<vmem_shared>>
        tpu.enqueue_indirect_dma source(%arg36 : memref<40x128xf32, #tpu.memory_space<vmem>>) target(%dma_start3A_599 : memref<10008x128xf32, #tpu.memory_space<vmem_shared>>) offsets(%arg22 : memref<40xi32, #tpu.memory_space<vmem>>) semaphore(%arg64 : memref<!tpu.dma_semaphore, #tpu.memory_space<semaphore_mem>>) {add = true}
      } else {
      }
      %ge3A = arith.constant 2 : i32
      %ge3A_142 = arith.cmpi sge, %add3A_137, %ge3A : i32
      %sub3A = arith.constant 2 : i32
      %sub3A_143 = arith.subi %add3A_137, %sub3A : i32
      %lt3A_144 = arith.constant 250 : i32
      %lt3A_145 = arith.cmpi slt, %sub3A_143, %lt3A_144 : i32
      %and3A = arith.andi %ge3A_142, %lt3A_145 : i1
      %convert_element_type3A_146 = arith.extui %and3A : i1 to i32
      %cond3A_147 = arith.constant 0 : i32
      %cond3A_148 = arith.cmpi ne, %convert_element_type3A_146, %cond3A_147 : i32
      scf.if %cond3A_148 {
        %dma_wait3A_594 = arith.constant 0 : i32
        %dma_wait3A_595 = arith.constant 0 : i32
        %dma_wait3A_596 = tpu.memref_slice %arg7[%dma_wait3A_594, %dma_wait3A_595] : memref<10008x128xf32, #tpu.memory_space<vmem_shared>> -> memref<10008x128xf32, #tpu.memory_space<vmem_shared>>
        tpu.wait_indirect_dma semaphore(%arg69 : memref<!tpu.dma_semaphore, #tpu.memory_space<semaphore_mem>>) src(%arg41 : memref<40x128xf32, #tpu.memory_space<vmem>>) dst(%dma_wait3A_596 : memref<10008x128xf32, #tpu.memory_space<vmem_shared>>)
      } else {
      }
      %add3A_149 = arith.constant 5 : i32
      %add3A_150 = arith.addi %add3A_137, %add3A_149 : i32
      %add3A_151 = arith.constant 4 : i32
      %add3A_152 = arith.addi %add3A_150, %add3A_151 : i32
      %lt3A_153 = arith.constant 250 : i32
      %lt3A_154 = arith.cmpi slt, %add3A_152, %lt3A_153 : i32
      %convert_element_type3A_155 = arith.extui %lt3A_154 : i1 to i32
      %cond3A_156 = arith.constant 0 : i32
      %cond3A_157 = arith.cmpi ne, %convert_element_type3A_155, %cond3A_156 : i32
      scf.if %cond3A_157 {
        %mul3A_594 = arith.constant 40 : i32
        %mul3A_595 = arith.muli %add3A_152, %mul3A_594 : i32
        %add3A_596 = arith.addi %mul3A_9, %mul3A_595 : i32
        %dma_start3A_597 = tpu.memref_slice %arg3[%add3A_596] : memref<320000xi32, #tpu.memory_space<hbm>> -> memref<40xi32, #tpu.memory_space<hbm>>
        %dma_start3A_598 = tpu.memref_slice %arg3[%add3A_596] : memref<320000xi32, #tpu.memory_space<hbm>> -> memref<40xi32, #tpu.memory_space<hbm>>
        tpu.enqueue_dma source(%dma_start3A_598 : memref<40xi32, #tpu.memory_space<hbm>>) target(%arg17 : memref<40xi32, #tpu.memory_space<vmem>>) target_semaphore(%arg52 : memref<!tpu.dma_semaphore, #tpu.memory_space<semaphore_mem>>)
        %dma_start3A_599 = tpu.memref_slice %arg4[%add3A_596] : memref<320000xi32, #tpu.memory_space<hbm>> -> memref<40xi32, #tpu.memory_space<hbm>>
        %dma_start3A_600 = tpu.memref_slice %arg4[%add3A_596] : memref<320000xi32, #tpu.memory_space<hbm>> -> memref<40xi32, #tpu.memory_space<hbm>>
        tpu.enqueue_dma source(%dma_start3A_600 : memref<40xi32, #tpu.memory_space<hbm>>) target(%arg31 : memref<40xi32, #tpu.memory_space<vmem>>) target_semaphore(%arg52 : memref<!tpu.dma_semaphore, #tpu.memory_space<semaphore_mem>>)
      } else {
      }
      %add3A_158 = arith.constant 5 : i32
      %add3A_159 = arith.addi %add3A_137, %add3A_158 : i32
      %lt3A_160 = arith.constant 250 : i32
      %lt3A_161 = arith.cmpi slt, %add3A_159, %lt3A_160 : i32
      %convert_element_type3A_162 = arith.extui %lt3A_161 : i1 to i32
      %cond3A_163 = arith.constant 0 : i32
      %cond3A_164 = arith.cmpi ne, %convert_element_type3A_162, %cond3A_163 : i32
      scf.if %cond3A_164 {
        %dma_wait3A_594 = arith.constant 0 : i32
        %dma_wait3A_595 = tpu.memref_slice %arg3[%dma_wait3A_594] : memref<320000xi32, #tpu.memory_space<hbm>> -> memref<40xi32, #tpu.memory_space<hbm>>
        %dma_wait3A_596 = arith.constant 0 : i32
        %dma_wait3A_597 = tpu.memref_slice %arg3[%dma_wait3A_596] : memref<320000xi32, #tpu.memory_space<hbm>> -> memref<40xi32, #tpu.memory_space<hbm>>
        tpu.wait_dma2 semaphore(%arg48 : memref<!tpu.dma_semaphore, #tpu.memory_space<semaphore_mem>>) src(%dma_wait3A_597 : memref<40xi32, #tpu.memory_space<hbm>>) dst(%arg13 : memref<40xi32, #tpu.memory_space<vmem>>)
        %dma_wait3A_598 = arith.constant 0 : i32
        %dma_wait3A_599 = tpu.memref_slice %arg4[%dma_wait3A_598] : memref<320000xi32, #tpu.memory_space<hbm>> -> memref<40xi32, #tpu.memory_space<hbm>>
        %dma_wait3A_600 = arith.constant 0 : i32
        %dma_wait3A_601 = tpu.memref_slice %arg4[%dma_wait3A_600] : memref<320000xi32, #tpu.memory_space<hbm>> -> memref<40xi32, #tpu.memory_space<hbm>>
        tpu.wait_dma2 semaphore(%arg48 : memref<!tpu.dma_semaphore, #tpu.memory_space<semaphore_mem>>) src(%dma_wait3A_601 : memref<40xi32, #tpu.memory_space<hbm>>) dst(%arg27 : memref<40xi32, #tpu.memory_space<vmem>>)
        %dma_start3A_602 = arith.constant 0 : i32
        %dma_start3A_603 = arith.constant 0 : i32
        %dma_start3A_604 = tpu.memref_slice %arg2[%dma_start3A_602, %dma_start3A_603] : memref<10000x128xf32, #tpu.memory_space<hbm>> -> memref<10000x128xf32, #tpu.memory_space<hbm>>
        tpu.enqueue_indirect_dma source(%dma_start3A_604 : memref<10000x128xf32, #tpu.memory_space<hbm>>) target(%arg41 : memref<40x128xf32, #tpu.memory_space<vmem>>) offsets(%arg13 : memref<40xi32, #tpu.memory_space<vmem>>) semaphore(%arg62 : memref<!tpu.dma_semaphore, #tpu.memory_space<semaphore_mem>>)
      } else {
      }
      %add3A_165 = arith.constant 1 : i32
      %add3A_166 = arith.addi %mul3A_135, %add3A_165 : i32
      %lt3A_167 = arith.constant 250 : i32
      %lt3A_168 = arith.cmpi slt, %add3A_166, %lt3A_167 : i32
      %convert_element_type3A_169 = arith.extui %lt3A_168 : i1 to i32
      %cond3A_170 = arith.constant 0 : i32
      %cond3A_171 = arith.cmpi ne, %convert_element_type3A_169, %cond3A_170 : i32
      scf.if %cond3A_171 {
        %dma_wait3A_594 = arith.constant 0 : i32
        %dma_wait3A_595 = arith.constant 0 : i32
        %dma_wait3A_596 = tpu.memref_slice %arg2[%dma_wait3A_594, %dma_wait3A_595] : memref<10000x128xf32, #tpu.memory_space<hbm>> -> memref<10000x128xf32, #tpu.memory_space<hbm>>
        tpu.wait_indirect_dma semaphore(%arg58 : memref<!tpu.dma_semaphore, #tpu.memory_space<semaphore_mem>>) src(%dma_wait3A_596 : memref<10000x128xf32, #tpu.memory_space<hbm>>) dst(%arg37 : memref<40x128xf32, #tpu.memory_space<vmem>>)
        %dma_start3A_597 = arith.constant 0 : i32
        %dma_start3A_598 = arith.constant 0 : i32
        %dma_start3A_599 = tpu.memref_slice %arg7[%dma_start3A_597, %dma_start3A_598] : memref<10008x128xf32, #tpu.memory_space<vmem_shared>> -> memref<10008x128xf32, #tpu.memory_space<vmem_shared>>
        tpu.enqueue_indirect_dma source(%arg37 : memref<40x128xf32, #tpu.memory_space<vmem>>) target(%dma_start3A_599 : memref<10008x128xf32, #tpu.memory_space<vmem_shared>>) offsets(%arg23 : memref<40xi32, #tpu.memory_space<vmem>>) semaphore(%arg65 : memref<!tpu.dma_semaphore, #tpu.memory_space<semaphore_mem>>) {add = true}
      } else {
      }
      %ge3A_172 = arith.constant 2 : i32
      %ge3A_173 = arith.cmpi sge, %add3A_166, %ge3A_172 : i32
      %sub3A_174 = arith.constant 2 : i32
      %sub3A_175 = arith.subi %add3A_166, %sub3A_174 : i32
      %lt3A_176 = arith.constant 250 : i32
      %lt3A_177 = arith.cmpi slt, %sub3A_175, %lt3A_176 : i32
      %and3A_178 = arith.andi %ge3A_173, %lt3A_177 : i1
      %convert_element_type3A_179 = arith.extui %and3A_178 : i1 to i32
      %cond3A_180 = arith.constant 0 : i32
      %cond3A_181 = arith.cmpi ne, %convert_element_type3A_179, %cond3A_180 : i32
      scf.if %cond3A_181 {
        %dma_wait3A_594 = arith.constant 0 : i32
        %dma_wait3A_595 = arith.constant 0 : i32
        %dma_wait3A_596 = tpu.memref_slice %arg7[%dma_wait3A_594, %dma_wait3A_595] : memref<10008x128xf32, #tpu.memory_space<vmem_shared>> -> memref<10008x128xf32, #tpu.memory_space<vmem_shared>>
        tpu.wait_indirect_dma semaphore(%arg70 : memref<!tpu.dma_semaphore, #tpu.memory_space<semaphore_mem>>) src(%arg42 : memref<40x128xf32, #tpu.memory_space<vmem>>) dst(%dma_wait3A_596 : memref<10008x128xf32, #tpu.memory_space<vmem_shared>>)
      } else {
      }
      %add3A_182 = arith.constant 5 : i32
      %add3A_183 = arith.addi %add3A_166, %add3A_182 : i32
      %add3A_184 = arith.constant 4 : i32
      %add3A_185 = arith.addi %add3A_183, %add3A_184 : i32
      %lt3A_186 = arith.constant 250 : i32
      %lt3A_187 = arith.cmpi slt, %add3A_185, %lt3A_186 : i32
      %convert_element_type3A_188 = arith.extui %lt3A_187 : i1 to i32
      %cond3A_189 = arith.constant 0 : i32
      %cond3A_190 = arith.cmpi ne, %convert_element_type3A_188, %cond3A_189 : i32
      scf.if %cond3A_190 {
        %mul3A_594 = arith.constant 40 : i32
        %mul3A_595 = arith.muli %add3A_185, %mul3A_594 : i32
        %add3A_596 = arith.addi %mul3A_9, %mul3A_595 : i32
        %dma_start3A_597 = tpu.memref_slice %arg3[%add3A_596] : memref<320000xi32, #tpu.memory_space<hbm>> -> memref<40xi32, #tpu.memory_space<hbm>>
        %dma_start3A_598 = tpu.memref_slice %arg3[%add3A_596] : memref<320000xi32, #tpu.memory_space<hbm>> -> memref<40xi32, #tpu.memory_space<hbm>>
        tpu.enqueue_dma source(%dma_start3A_598 : memref<40xi32, #tpu.memory_space<hbm>>) target(%arg18 : memref<40xi32, #tpu.memory_space<vmem>>) target_semaphore(%arg53 : memref<!tpu.dma_semaphore, #tpu.memory_space<semaphore_mem>>)
        %dma_start3A_599 = tpu.memref_slice %arg4[%add3A_596] : memref<320000xi32, #tpu.memory_space<hbm>> -> memref<40xi32, #tpu.memory_space<hbm>>
        %dma_start3A_600 = tpu.memref_slice %arg4[%add3A_596] : memref<320000xi32, #tpu.memory_space<hbm>> -> memref<40xi32, #tpu.memory_space<hbm>>
        tpu.enqueue_dma source(%dma_start3A_600 : memref<40xi32, #tpu.memory_space<hbm>>) target(%arg32 : memref<40xi32, #tpu.memory_space<vmem>>) target_semaphore(%arg53 : memref<!tpu.dma_semaphore, #tpu.memory_space<semaphore_mem>>)
      } else {
      }
      %add3A_191 = arith.constant 5 : i32
      %add3A_192 = arith.addi %add3A_166, %add3A_191 : i32
      %lt3A_193 = arith.constant 250 : i32
      %lt3A_194 = arith.cmpi slt, %add3A_192, %lt3A_193 : i32
      %convert_element_type3A_195 = arith.extui %lt3A_194 : i1 to i32
      %cond3A_196 = arith.constant 0 : i32
      %cond3A_197 = arith.cmpi ne, %convert_element_type3A_195, %cond3A_196 : i32
      scf.if %cond3A_197 {
        %dma_wait3A_594 = arith.constant 0 : i32
        %dma_wait3A_595 = tpu.memref_slice %arg3[%dma_wait3A_594] : memref<320000xi32, #tpu.memory_space<hbm>> -> memref<40xi32, #tpu.memory_space<hbm>>
        %dma_wait3A_596 = arith.constant 0 : i32
        %dma_wait3A_597 = tpu.memref_slice %arg3[%dma_wait3A_596] : memref<320000xi32, #tpu.memory_space<hbm>> -> memref<40xi32, #tpu.memory_space<hbm>>
        tpu.wait_dma2 semaphore(%arg49 : memref<!tpu.dma_semaphore, #tpu.memory_space<semaphore_mem>>) src(%dma_wait3A_597 : memref<40xi32, #tpu.memory_space<hbm>>) dst(%arg14 : memref<40xi32, #tpu.memory_space<vmem>>)
        %dma_wait3A_598 = arith.constant 0 : i32
        %dma_wait3A_599 = tpu.memref_slice %arg4[%dma_wait3A_598] : memref<320000xi32, #tpu.memory_space<hbm>> -> memref<40xi32, #tpu.memory_space<hbm>>
        %dma_wait3A_600 = arith.constant 0 : i32
        %dma_wait3A_601 = tpu.memref_slice %arg4[%dma_wait3A_600] : memref<320000xi32, #tpu.memory_space<hbm>> -> memref<40xi32, #tpu.memory_space<hbm>>
        tpu.wait_dma2 semaphore(%arg49 : memref<!tpu.dma_semaphore, #tpu.memory_space<semaphore_mem>>) src(%dma_wait3A_601 : memref<40xi32, #tpu.memory_space<hbm>>) dst(%arg28 : memref<40xi32, #tpu.memory_space<vmem>>)
        %dma_start3A_602 = arith.constant 0 : i32
        %dma_start3A_603 = arith.constant 0 : i32
        %dma_start3A_604 = tpu.memref_slice %arg2[%dma_start3A_602, %dma_start3A_603] : memref<10000x128xf32, #tpu.memory_space<hbm>> -> memref<10000x128xf32, #tpu.memory_space<hbm>>
        tpu.enqueue_indirect_dma source(%dma_start3A_604 : memref<10000x128xf32, #tpu.memory_space<hbm>>) target(%arg42 : memref<40x128xf32, #tpu.memory_space<vmem>>) offsets(%arg14 : memref<40xi32, #tpu.memory_space<vmem>>) semaphore(%arg63 : memref<!tpu.dma_semaphore, #tpu.memory_space<semaphore_mem>>)
      } else {
      }
      %add3A_198 = arith.constant 2 : i32
      %add3A_199 = arith.addi %mul3A_135, %add3A_198 : i32
      %lt3A_200 = arith.constant 250 : i32
      %lt3A_201 = arith.cmpi slt, %add3A_199, %lt3A_200 : i32
      %convert_element_type3A_202 = arith.extui %lt3A_201 : i1 to i32
      %cond3A_203 = arith.constant 0 : i32
      %cond3A_204 = arith.cmpi ne, %convert_element_type3A_202, %cond3A_203 : i32
      scf.if %cond3A_204 {
        %dma_wait3A_594 = arith.constant 0 : i32
        %dma_wait3A_595 = arith.constant 0 : i32
        %dma_wait3A_596 = tpu.memref_slice %arg2[%dma_wait3A_594, %dma_wait3A_595] : memref<10000x128xf32, #tpu.memory_space<hbm>> -> memref<10000x128xf32, #tpu.memory_space<hbm>>
        tpu.wait_indirect_dma semaphore(%arg59 : memref<!tpu.dma_semaphore, #tpu.memory_space<semaphore_mem>>) src(%dma_wait3A_596 : memref<10000x128xf32, #tpu.memory_space<hbm>>) dst(%arg38 : memref<40x128xf32, #tpu.memory_space<vmem>>)
        %dma_start3A_597 = arith.constant 0 : i32
        %dma_start3A_598 = arith.constant 0 : i32
        %dma_start3A_599 = tpu.memref_slice %arg7[%dma_start3A_597, %dma_start3A_598] : memref<10008x128xf32, #tpu.memory_space<vmem_shared>> -> memref<10008x128xf32, #tpu.memory_space<vmem_shared>>
        tpu.enqueue_indirect_dma source(%arg38 : memref<40x128xf32, #tpu.memory_space<vmem>>) target(%dma_start3A_599 : memref<10008x128xf32, #tpu.memory_space<vmem_shared>>) offsets(%arg24 : memref<40xi32, #tpu.memory_space<vmem>>) semaphore(%arg66 : memref<!tpu.dma_semaphore, #tpu.memory_space<semaphore_mem>>) {add = true}
      } else {
      }
      %ge3A_205 = arith.constant 2 : i32
      %ge3A_206 = arith.cmpi sge, %add3A_199, %ge3A_205 : i32
      %sub3A_207 = arith.constant 2 : i32
      %sub3A_208 = arith.subi %add3A_199, %sub3A_207 : i32
      %lt3A_209 = arith.constant 250 : i32
      %lt3A_210 = arith.cmpi slt, %sub3A_208, %lt3A_209 : i32
      %and3A_211 = arith.andi %ge3A_206, %lt3A_210 : i1
      %convert_element_type3A_212 = arith.extui %and3A_211 : i1 to i32
      %cond3A_213 = arith.constant 0 : i32
      %cond3A_214 = arith.cmpi ne, %convert_element_type3A_212, %cond3A_213 : i32
      scf.if %cond3A_214 {
        %dma_wait3A_594 = arith.constant 0 : i32
        %dma_wait3A_595 = arith.constant 0 : i32
        %dma_wait3A_596 = tpu.memref_slice %arg7[%dma_wait3A_594, %dma_wait3A_595] : memref<10008x128xf32, #tpu.memory_space<vmem_shared>> -> memref<10008x128xf32, #tpu.memory_space<vmem_shared>>
        tpu.wait_indirect_dma semaphore(%arg64 : memref<!tpu.dma_semaphore, #tpu.memory_space<semaphore_mem>>) src(%arg36 : memref<40x128xf32, #tpu.memory_space<vmem>>) dst(%dma_wait3A_596 : memref<10008x128xf32, #tpu.memory_space<vmem_shared>>)
      } else {
      }
      %add3A_215 = arith.constant 5 : i32
      %add3A_216 = arith.addi %add3A_199, %add3A_215 : i32
      %add3A_217 = arith.constant 4 : i32
      %add3A_218 = arith.addi %add3A_216, %add3A_217 : i32
      %lt3A_219 = arith.constant 250 : i32
      %lt3A_220 = arith.cmpi slt, %add3A_218, %lt3A_219 : i32
      %convert_element_type3A_221 = arith.extui %lt3A_220 : i1 to i32
      %cond3A_222 = arith.constant 0 : i32
      %cond3A_223 = arith.cmpi ne, %convert_element_type3A_221, %cond3A_222 : i32
      scf.if %cond3A_223 {
        %mul3A_594 = arith.constant 40 : i32
        %mul3A_595 = arith.muli %add3A_218, %mul3A_594 : i32
        %add3A_596 = arith.addi %mul3A_9, %mul3A_595 : i32
        %dma_start3A_597 = tpu.memref_slice %arg3[%add3A_596] : memref<320000xi32, #tpu.memory_space<hbm>> -> memref<40xi32, #tpu.memory_space<hbm>>
        %dma_start3A_598 = tpu.memref_slice %arg3[%add3A_596] : memref<320000xi32, #tpu.memory_space<hbm>> -> memref<40xi32, #tpu.memory_space<hbm>>
        tpu.enqueue_dma source(%dma_start3A_598 : memref<40xi32, #tpu.memory_space<hbm>>) target(%arg19 : memref<40xi32, #tpu.memory_space<vmem>>) target_semaphore(%arg54 : memref<!tpu.dma_semaphore, #tpu.memory_space<semaphore_mem>>)
        %dma_start3A_599 = tpu.memref_slice %arg4[%add3A_596] : memref<320000xi32, #tpu.memory_space<hbm>> -> memref<40xi32, #tpu.memory_space<hbm>>
        %dma_start3A_600 = tpu.memref_slice %arg4[%add3A_596] : memref<320000xi32, #tpu.memory_space<hbm>> -> memref<40xi32, #tpu.memory_space<hbm>>
        tpu.enqueue_dma source(%dma_start3A_600 : memref<40xi32, #tpu.memory_space<hbm>>) target(%arg33 : memref<40xi32, #tpu.memory_space<vmem>>) target_semaphore(%arg54 : memref<!tpu.dma_semaphore, #tpu.memory_space<semaphore_mem>>)
      } else {
      }
      %add3A_224 = arith.constant 5 : i32
      %add3A_225 = arith.addi %add3A_199, %add3A_224 : i32
      %lt3A_226 = arith.constant 250 : i32
      %lt3A_227 = arith.cmpi slt, %add3A_225, %lt3A_226 : i32
      %convert_element_type3A_228 = arith.extui %lt3A_227 : i1 to i32
      %cond3A_229 = arith.constant 0 : i32
      %cond3A_230 = arith.cmpi ne, %convert_element_type3A_228, %cond3A_229 : i32
      scf.if %cond3A_230 {
        %dma_wait3A_594 = arith.constant 0 : i32
        %dma_wait3A_595 = tpu.memref_slice %arg3[%dma_wait3A_594] : memref<320000xi32, #tpu.memory_space<hbm>> -> memref<40xi32, #tpu.memory_space<hbm>>
        %dma_wait3A_596 = arith.constant 0 : i32
        %dma_wait3A_597 = tpu.memref_slice %arg3[%dma_wait3A_596] : memref<320000xi32, #tpu.memory_space<hbm>> -> memref<40xi32, #tpu.memory_space<hbm>>
        tpu.wait_dma2 semaphore(%arg50 : memref<!tpu.dma_semaphore, #tpu.memory_space<semaphore_mem>>) src(%dma_wait3A_597 : memref<40xi32, #tpu.memory_space<hbm>>) dst(%arg15 : memref<40xi32, #tpu.memory_space<vmem>>)
        %dma_wait3A_598 = arith.constant 0 : i32
        %dma_wait3A_599 = tpu.memref_slice %arg4[%dma_wait3A_598] : memref<320000xi32, #tpu.memory_space<hbm>> -> memref<40xi32, #tpu.memory_space<hbm>>
        %dma_wait3A_600 = arith.constant 0 : i32
        %dma_wait3A_601 = tpu.memref_slice %arg4[%dma_wait3A_600] : memref<320000xi32, #tpu.memory_space<hbm>> -> memref<40xi32, #tpu.memory_space<hbm>>
        tpu.wait_dma2 semaphore(%arg50 : memref<!tpu.dma_semaphore, #tpu.memory_space<semaphore_mem>>) src(%dma_wait3A_601 : memref<40xi32, #tpu.memory_space<hbm>>) dst(%arg29 : memref<40xi32, #tpu.memory_space<vmem>>)
        %dma_start3A_602 = arith.constant 0 : i32
        %dma_start3A_603 = arith.constant 0 : i32
        %dma_start3A_604 = tpu.memref_slice %arg2[%dma_start3A_602, %dma_start3A_603] : memref<10000x128xf32, #tpu.memory_space<hbm>> -> memref<10000x128xf32, #tpu.memory_space<hbm>>
        tpu.enqueue_indirect_dma source(%dma_start3A_604 : memref<10000x128xf32, #tpu.memory_space<hbm>>) target(%arg36 : memref<40x128xf32, #tpu.memory_space<vmem>>) offsets(%arg15 : memref<40xi32, #tpu.memory_space<vmem>>) semaphore(%arg57 : memref<!tpu.dma_semaphore, #tpu.memory_space<semaphore_mem>>)
      } else {
      }
      %add3A_231 = arith.constant 3 : i32
      %add3A_232 = arith.addi %mul3A_135, %add3A_231 : i32
      %lt3A_233 = arith.constant 250 : i32
      %lt3A_234 = arith.cmpi slt, %add3A_232, %lt3A_233 : i32
      %convert_element_type3A_235 = arith.extui %lt3A_234 : i1 to i32
      %cond3A_236 = arith.constant 0 : i32
      %cond3A_237 = arith.cmpi ne, %convert_element_type3A_235, %cond3A_236 : i32
      scf.if %cond3A_237 {
        %dma_wait3A_594 = arith.constant 0 : i32
        %dma_wait3A_595 = arith.constant 0 : i32
        %dma_wait3A_596 = tpu.memref_slice %arg2[%dma_wait3A_594, %dma_wait3A_595] : memref<10000x128xf32, #tpu.memory_space<hbm>> -> memref<10000x128xf32, #tpu.memory_space<hbm>>
        tpu.wait_indirect_dma semaphore(%arg60 : memref<!tpu.dma_semaphore, #tpu.memory_space<semaphore_mem>>) src(%dma_wait3A_596 : memref<10000x128xf32, #tpu.memory_space<hbm>>) dst(%arg39 : memref<40x128xf32, #tpu.memory_space<vmem>>)
        %dma_start3A_597 = arith.constant 0 : i32
        %dma_start3A_598 = arith.constant 0 : i32
        %dma_start3A_599 = tpu.memref_slice %arg7[%dma_start3A_597, %dma_start3A_598] : memref<10008x128xf32, #tpu.memory_space<vmem_shared>> -> memref<10008x128xf32, #tpu.memory_space<vmem_shared>>
        tpu.enqueue_indirect_dma source(%arg39 : memref<40x128xf32, #tpu.memory_space<vmem>>) target(%dma_start3A_599 : memref<10008x128xf32, #tpu.memory_space<vmem_shared>>) offsets(%arg25 : memref<40xi32, #tpu.memory_space<vmem>>) semaphore(%arg67 : memref<!tpu.dma_semaphore, #tpu.memory_space<semaphore_mem>>) {add = true}
      } else {
      }
      %ge3A_238 = arith.constant 2 : i32
      %ge3A_239 = arith.cmpi sge, %add3A_232, %ge3A_238 : i32
      %sub3A_240 = arith.constant 2 : i32
      %sub3A_241 = arith.subi %add3A_232, %sub3A_240 : i32
      %lt3A_242 = arith.constant 250 : i32
      %lt3A_243 = arith.cmpi slt, %sub3A_241, %lt3A_242 : i32
      %and3A_244 = arith.andi %ge3A_239, %lt3A_243 : i1
      %convert_element_type3A_245 = arith.extui %and3A_244 : i1 to i32
      %cond3A_246 = arith.constant 0 : i32
      %cond3A_247 = arith.cmpi ne, %convert_element_type3A_245, %cond3A_246 : i32
      scf.if %cond3A_247 {
        %dma_wait3A_594 = arith.constant 0 : i32
        %dma_wait3A_595 = arith.constant 0 : i32
        %dma_wait3A_596 = tpu.memref_slice %arg7[%dma_wait3A_594, %dma_wait3A_595] : memref<10008x128xf32, #tpu.memory_space<vmem_shared>> -> memref<10008x128xf32, #tpu.memory_space<vmem_shared>>
        tpu.wait_indirect_dma semaphore(%arg65 : memref<!tpu.dma_semaphore, #tpu.memory_space<semaphore_mem>>) src(%arg37 : memref<40x128xf32, #tpu.memory_space<vmem>>) dst(%dma_wait3A_596 : memref<10008x128xf32, #tpu.memory_space<vmem_shared>>)
      } else {
      }
      %add3A_248 = arith.constant 5 : i32
      %add3A_249 = arith.addi %add3A_232, %add3A_248 : i32
      %add3A_250 = arith.constant 4 : i32
      %add3A_251 = arith.addi %add3A_249, %add3A_250 : i32
      %lt3A_252 = arith.constant 250 : i32
      %lt3A_253 = arith.cmpi slt, %add3A_251, %lt3A_252 : i32
      %convert_element_type3A_254 = arith.extui %lt3A_253 : i1 to i32
      %cond3A_255 = arith.constant 0 : i32
      %cond3A_256 = arith.cmpi ne, %convert_element_type3A_254, %cond3A_255 : i32
      scf.if %cond3A_256 {
        %mul3A_594 = arith.constant 40 : i32
        %mul3A_595 = arith.muli %add3A_251, %mul3A_594 : i32
        %add3A_596 = arith.addi %mul3A_9, %mul3A_595 : i32
        %dma_start3A_597 = tpu.memref_slice %arg3[%add3A_596] : memref<320000xi32, #tpu.memory_space<hbm>> -> memref<40xi32, #tpu.memory_space<hbm>>
        %dma_start3A_598 = tpu.memref_slice %arg3[%add3A_596] : memref<320000xi32, #tpu.memory_space<hbm>> -> memref<40xi32, #tpu.memory_space<hbm>>
        tpu.enqueue_dma source(%dma_start3A_598 : memref<40xi32, #tpu.memory_space<hbm>>) target(%arg20 : memref<40xi32, #tpu.memory_space<vmem>>) target_semaphore(%arg55 : memref<!tpu.dma_semaphore, #tpu.memory_space<semaphore_mem>>)
        %dma_start3A_599 = tpu.memref_slice %arg4[%add3A_596] : memref<320000xi32, #tpu.memory_space<hbm>> -> memref<40xi32, #tpu.memory_space<hbm>>
        %dma_start3A_600 = tpu.memref_slice %arg4[%add3A_596] : memref<320000xi32, #tpu.memory_space<hbm>> -> memref<40xi32, #tpu.memory_space<hbm>>
        tpu.enqueue_dma source(%dma_start3A_600 : memref<40xi32, #tpu.memory_space<hbm>>) target(%arg34 : memref<40xi32, #tpu.memory_space<vmem>>) target_semaphore(%arg55 : memref<!tpu.dma_semaphore, #tpu.memory_space<semaphore_mem>>)
      } else {
      }
      %add3A_257 = arith.constant 5 : i32
      %add3A_258 = arith.addi %add3A_232, %add3A_257 : i32
      %lt3A_259 = arith.constant 250 : i32
      %lt3A_260 = arith.cmpi slt, %add3A_258, %lt3A_259 : i32
      %convert_element_type3A_261 = arith.extui %lt3A_260 : i1 to i32
      %cond3A_262 = arith.constant 0 : i32
      %cond3A_263 = arith.cmpi ne, %convert_element_type3A_261, %cond3A_262 : i32
      scf.if %cond3A_263 {
        %dma_wait3A_594 = arith.constant 0 : i32
        %dma_wait3A_595 = tpu.memref_slice %arg3[%dma_wait3A_594] : memref<320000xi32, #tpu.memory_space<hbm>> -> memref<40xi32, #tpu.memory_space<hbm>>
        %dma_wait3A_596 = arith.constant 0 : i32
        %dma_wait3A_597 = tpu.memref_slice %arg3[%dma_wait3A_596] : memref<320000xi32, #tpu.memory_space<hbm>> -> memref<40xi32, #tpu.memory_space<hbm>>
        tpu.wait_dma2 semaphore(%arg51 : memref<!tpu.dma_semaphore, #tpu.memory_space<semaphore_mem>>) src(%dma_wait3A_597 : memref<40xi32, #tpu.memory_space<hbm>>) dst(%arg16 : memref<40xi32, #tpu.memory_space<vmem>>)
        %dma_wait3A_598 = arith.constant 0 : i32
        %dma_wait3A_599 = tpu.memref_slice %arg4[%dma_wait3A_598] : memref<320000xi32, #tpu.memory_space<hbm>> -> memref<40xi32, #tpu.memory_space<hbm>>
        %dma_wait3A_600 = arith.constant 0 : i32
        %dma_wait3A_601 = tpu.memref_slice %arg4[%dma_wait3A_600] : memref<320000xi32, #tpu.memory_space<hbm>> -> memref<40xi32, #tpu.memory_space<hbm>>
        tpu.wait_dma2 semaphore(%arg51 : memref<!tpu.dma_semaphore, #tpu.memory_space<semaphore_mem>>) src(%dma_wait3A_601 : memref<40xi32, #tpu.memory_space<hbm>>) dst(%arg30 : memref<40xi32, #tpu.memory_space<vmem>>)
        %dma_start3A_602 = arith.constant 0 : i32
        %dma_start3A_603 = arith.constant 0 : i32
        %dma_start3A_604 = tpu.memref_slice %arg2[%dma_start3A_602, %dma_start3A_603] : memref<10000x128xf32, #tpu.memory_space<hbm>> -> memref<10000x128xf32, #tpu.memory_space<hbm>>
        tpu.enqueue_indirect_dma source(%dma_start3A_604 : memref<10000x128xf32, #tpu.memory_space<hbm>>) target(%arg37 : memref<40x128xf32, #tpu.memory_space<vmem>>) offsets(%arg16 : memref<40xi32, #tpu.memory_space<vmem>>) semaphore(%arg58 : memref<!tpu.dma_semaphore, #tpu.memory_space<semaphore_mem>>)
      } else {
      }
      %add3A_264 = arith.constant 4 : i32
      %add3A_265 = arith.addi %mul3A_135, %add3A_264 : i32
      %lt3A_266 = arith.constant 250 : i32
      %lt3A_267 = arith.cmpi slt, %add3A_265, %lt3A_266 : i32
      %convert_element_type3A_268 = arith.extui %lt3A_267 : i1 to i32
      %cond3A_269 = arith.constant 0 : i32
      %cond3A_270 = arith.cmpi ne, %convert_element_type3A_268, %cond3A_269 : i32
      scf.if %cond3A_270 {
        %dma_wait3A_594 = arith.constant 0 : i32
        %dma_wait3A_595 = arith.constant 0 : i32
        %dma_wait3A_596 = tpu.memref_slice %arg2[%dma_wait3A_594, %dma_wait3A_595] : memref<10000x128xf32, #tpu.memory_space<hbm>> -> memref<10000x128xf32, #tpu.memory_space<hbm>>
        tpu.wait_indirect_dma semaphore(%arg61 : memref<!tpu.dma_semaphore, #tpu.memory_space<semaphore_mem>>) src(%dma_wait3A_596 : memref<10000x128xf32, #tpu.memory_space<hbm>>) dst(%arg40 : memref<40x128xf32, #tpu.memory_space<vmem>>)
        %dma_start3A_597 = arith.constant 0 : i32
        %dma_start3A_598 = arith.constant 0 : i32
        %dma_start3A_599 = tpu.memref_slice %arg7[%dma_start3A_597, %dma_start3A_598] : memref<10008x128xf32, #tpu.memory_space<vmem_shared>> -> memref<10008x128xf32, #tpu.memory_space<vmem_shared>>
        tpu.enqueue_indirect_dma source(%arg40 : memref<40x128xf32, #tpu.memory_space<vmem>>) target(%dma_start3A_599 : memref<10008x128xf32, #tpu.memory_space<vmem_shared>>) offsets(%arg26 : memref<40xi32, #tpu.memory_space<vmem>>) semaphore(%arg68 : memref<!tpu.dma_semaphore, #tpu.memory_space<semaphore_mem>>) {add = true}
      } else {
      }
      %ge3A_271 = arith.constant 2 : i32
      %ge3A_272 = arith.cmpi sge, %add3A_265, %ge3A_271 : i32
      %sub3A_273 = arith.constant 2 : i32
      %sub3A_274 = arith.subi %add3A_265, %sub3A_273 : i32
      %lt3A_275 = arith.constant 250 : i32
      %lt3A_276 = arith.cmpi slt, %sub3A_274, %lt3A_275 : i32
      %and3A_277 = arith.andi %ge3A_272, %lt3A_276 : i1
      %convert_element_type3A_278 = arith.extui %and3A_277 : i1 to i32
      %cond3A_279 = arith.constant 0 : i32
      %cond3A_280 = arith.cmpi ne, %convert_element_type3A_278, %cond3A_279 : i32
      scf.if %cond3A_280 {
        %dma_wait3A_594 = arith.constant 0 : i32
        %dma_wait3A_595 = arith.constant 0 : i32
        %dma_wait3A_596 = tpu.memref_slice %arg7[%dma_wait3A_594, %dma_wait3A_595] : memref<10008x128xf32, #tpu.memory_space<vmem_shared>> -> memref<10008x128xf32, #tpu.memory_space<vmem_shared>>
        tpu.wait_indirect_dma semaphore(%arg66 : memref<!tpu.dma_semaphore, #tpu.memory_space<semaphore_mem>>) src(%arg38 : memref<40x128xf32, #tpu.memory_space<vmem>>) dst(%dma_wait3A_596 : memref<10008x128xf32, #tpu.memory_space<vmem_shared>>)
      } else {
      }
      %add3A_281 = arith.constant 5 : i32
      %add3A_282 = arith.addi %add3A_265, %add3A_281 : i32
      %add3A_283 = arith.constant 4 : i32
      %add3A_284 = arith.addi %add3A_282, %add3A_283 : i32
      %lt3A_285 = arith.constant 250 : i32
      %lt3A_286 = arith.cmpi slt, %add3A_284, %lt3A_285 : i32
      %convert_element_type3A_287 = arith.extui %lt3A_286 : i1 to i32
      %cond3A_288 = arith.constant 0 : i32
      %cond3A_289 = arith.cmpi ne, %convert_element_type3A_287, %cond3A_288 : i32
      scf.if %cond3A_289 {
        %mul3A_594 = arith.constant 40 : i32
        %mul3A_595 = arith.muli %add3A_284, %mul3A_594 : i32
        %add3A_596 = arith.addi %mul3A_9, %mul3A_595 : i32
        %dma_start3A_597 = tpu.memref_slice %arg3[%add3A_596] : memref<320000xi32, #tpu.memory_space<hbm>> -> memref<40xi32, #tpu.memory_space<hbm>>
        %dma_start3A_598 = tpu.memref_slice %arg3[%add3A_596] : memref<320000xi32, #tpu.memory_space<hbm>> -> memref<40xi32, #tpu.memory_space<hbm>>
        tpu.enqueue_dma source(%dma_start3A_598 : memref<40xi32, #tpu.memory_space<hbm>>) target(%arg21 : memref<40xi32, #tpu.memory_space<vmem>>) target_semaphore(%arg56 : memref<!tpu.dma_semaphore, #tpu.memory_space<semaphore_mem>>)
        %dma_start3A_599 = tpu.memref_slice %arg4[%add3A_596] : memref<320000xi32, #tpu.memory_space<hbm>> -> memref<40xi32, #tpu.memory_space<hbm>>
        %dma_start3A_600 = tpu.memref_slice %arg4[%add3A_596] : memref<320000xi32, #tpu.memory_space<hbm>> -> memref<40xi32, #tpu.memory_space<hbm>>
        tpu.enqueue_dma source(%dma_start3A_600 : memref<40xi32, #tpu.memory_space<hbm>>) target(%arg35 : memref<40xi32, #tpu.memory_space<vmem>>) target_semaphore(%arg56 : memref<!tpu.dma_semaphore, #tpu.memory_space<semaphore_mem>>)
      } else {
      }
      %add3A_290 = arith.constant 5 : i32
      %add3A_291 = arith.addi %add3A_265, %add3A_290 : i32
      %lt3A_292 = arith.constant 250 : i32
      %lt3A_293 = arith.cmpi slt, %add3A_291, %lt3A_292 : i32
      %convert_element_type3A_294 = arith.extui %lt3A_293 : i1 to i32
      %cond3A_295 = arith.constant 0 : i32
      %cond3A_296 = arith.cmpi ne, %convert_element_type3A_294, %cond3A_295 : i32
      scf.if %cond3A_296 {
        %dma_wait3A_594 = arith.constant 0 : i32
        %dma_wait3A_595 = tpu.memref_slice %arg3[%dma_wait3A_594] : memref<320000xi32, #tpu.memory_space<hbm>> -> memref<40xi32, #tpu.memory_space<hbm>>
        %dma_wait3A_596 = arith.constant 0 : i32
        %dma_wait3A_597 = tpu.memref_slice %arg3[%dma_wait3A_596] : memref<320000xi32, #tpu.memory_space<hbm>> -> memref<40xi32, #tpu.memory_space<hbm>>
        tpu.wait_dma2 semaphore(%arg52 : memref<!tpu.dma_semaphore, #tpu.memory_space<semaphore_mem>>) src(%dma_wait3A_597 : memref<40xi32, #tpu.memory_space<hbm>>) dst(%arg17 : memref<40xi32, #tpu.memory_space<vmem>>)
        %dma_wait3A_598 = arith.constant 0 : i32
        %dma_wait3A_599 = tpu.memref_slice %arg4[%dma_wait3A_598] : memref<320000xi32, #tpu.memory_space<hbm>> -> memref<40xi32, #tpu.memory_space<hbm>>
        %dma_wait3A_600 = arith.constant 0 : i32
        %dma_wait3A_601 = tpu.memref_slice %arg4[%dma_wait3A_600] : memref<320000xi32, #tpu.memory_space<hbm>> -> memref<40xi32, #tpu.memory_space<hbm>>
        tpu.wait_dma2 semaphore(%arg52 : memref<!tpu.dma_semaphore, #tpu.memory_space<semaphore_mem>>) src(%dma_wait3A_601 : memref<40xi32, #tpu.memory_space<hbm>>) dst(%arg31 : memref<40xi32, #tpu.memory_space<vmem>>)
        %dma_start3A_602 = arith.constant 0 : i32
        %dma_start3A_603 = arith.constant 0 : i32
        %dma_start3A_604 = tpu.memref_slice %arg2[%dma_start3A_602, %dma_start3A_603] : memref<10000x128xf32, #tpu.memory_space<hbm>> -> memref<10000x128xf32, #tpu.memory_space<hbm>>
        tpu.enqueue_indirect_dma source(%dma_start3A_604 : memref<10000x128xf32, #tpu.memory_space<hbm>>) target(%arg38 : memref<40x128xf32, #tpu.memory_space<vmem>>) offsets(%arg17 : memref<40xi32, #tpu.memory_space<vmem>>) semaphore(%arg59 : memref<!tpu.dma_semaphore, #tpu.memory_space<semaphore_mem>>)
      } else {
      }
      %add3A_297 = arith.constant 5 : i32
      %add3A_298 = arith.addi %mul3A_135, %add3A_297 : i32
      %lt3A_299 = arith.constant 250 : i32
      %lt3A_300 = arith.cmpi slt, %add3A_298, %lt3A_299 : i32
      %convert_element_type3A_301 = arith.extui %lt3A_300 : i1 to i32
      %cond3A_302 = arith.constant 0 : i32
      %cond3A_303 = arith.cmpi ne, %convert_element_type3A_301, %cond3A_302 : i32
      scf.if %cond3A_303 {
        %dma_wait3A_594 = arith.constant 0 : i32
        %dma_wait3A_595 = arith.constant 0 : i32
        %dma_wait3A_596 = tpu.memref_slice %arg2[%dma_wait3A_594, %dma_wait3A_595] : memref<10000x128xf32, #tpu.memory_space<hbm>> -> memref<10000x128xf32, #tpu.memory_space<hbm>>
        tpu.wait_indirect_dma semaphore(%arg62 : memref<!tpu.dma_semaphore, #tpu.memory_space<semaphore_mem>>) src(%dma_wait3A_596 : memref<10000x128xf32, #tpu.memory_space<hbm>>) dst(%arg41 : memref<40x128xf32, #tpu.memory_space<vmem>>)
        %dma_start3A_597 = arith.constant 0 : i32
        %dma_start3A_598 = arith.constant 0 : i32
        %dma_start3A_599 = tpu.memref_slice %arg7[%dma_start3A_597, %dma_start3A_598] : memref<10008x128xf32, #tpu.memory_space<vmem_shared>> -> memref<10008x128xf32, #tpu.memory_space<vmem_shared>>
        tpu.enqueue_indirect_dma source(%arg41 : memref<40x128xf32, #tpu.memory_space<vmem>>) target(%dma_start3A_599 : memref<10008x128xf32, #tpu.memory_space<vmem_shared>>) offsets(%arg27 : memref<40xi32, #tpu.memory_space<vmem>>) semaphore(%arg69 : memref<!tpu.dma_semaphore, #tpu.memory_space<semaphore_mem>>) {add = true}
      } else {
      }
      %ge3A_304 = arith.constant 2 : i32
      %ge3A_305 = arith.cmpi sge, %add3A_298, %ge3A_304 : i32
      %sub3A_306 = arith.constant 2 : i32
      %sub3A_307 = arith.subi %add3A_298, %sub3A_306 : i32
      %lt3A_308 = arith.constant 250 : i32
      %lt3A_309 = arith.cmpi slt, %sub3A_307, %lt3A_308 : i32
      %and3A_310 = arith.andi %ge3A_305, %lt3A_309 : i1
      %convert_element_type3A_311 = arith.extui %and3A_310 : i1 to i32
      %cond3A_312 = arith.constant 0 : i32
      %cond3A_313 = arith.cmpi ne, %convert_element_type3A_311, %cond3A_312 : i32
      scf.if %cond3A_313 {
        %dma_wait3A_594 = arith.constant 0 : i32
        %dma_wait3A_595 = arith.constant 0 : i32
        %dma_wait3A_596 = tpu.memref_slice %arg7[%dma_wait3A_594, %dma_wait3A_595] : memref<10008x128xf32, #tpu.memory_space<vmem_shared>> -> memref<10008x128xf32, #tpu.memory_space<vmem_shared>>
        tpu.wait_indirect_dma semaphore(%arg67 : memref<!tpu.dma_semaphore, #tpu.memory_space<semaphore_mem>>) src(%arg39 : memref<40x128xf32, #tpu.memory_space<vmem>>) dst(%dma_wait3A_596 : memref<10008x128xf32, #tpu.memory_space<vmem_shared>>)
      } else {
      }
      %add3A_314 = arith.constant 5 : i32
      %add3A_315 = arith.addi %add3A_298, %add3A_314 : i32
      %add3A_316 = arith.constant 4 : i32
      %add3A_317 = arith.addi %add3A_315, %add3A_316 : i32
      %lt3A_318 = arith.constant 250 : i32
      %lt3A_319 = arith.cmpi slt, %add3A_317, %lt3A_318 : i32
      %convert_element_type3A_320 = arith.extui %lt3A_319 : i1 to i32
      %cond3A_321 = arith.constant 0 : i32
      %cond3A_322 = arith.cmpi ne, %convert_element_type3A_320, %cond3A_321 : i32
      scf.if %cond3A_322 {
        %mul3A_594 = arith.constant 40 : i32
        %mul3A_595 = arith.muli %add3A_317, %mul3A_594 : i32
        %add3A_596 = arith.addi %mul3A_9, %mul3A_595 : i32
        %dma_start3A_597 = tpu.memref_slice %arg3[%add3A_596] : memref<320000xi32, #tpu.memory_space<hbm>> -> memref<40xi32, #tpu.memory_space<hbm>>
        %dma_start3A_598 = tpu.memref_slice %arg3[%add3A_596] : memref<320000xi32, #tpu.memory_space<hbm>> -> memref<40xi32, #tpu.memory_space<hbm>>
        tpu.enqueue_dma source(%dma_start3A_598 : memref<40xi32, #tpu.memory_space<hbm>>) target(%arg8 : memref<40xi32, #tpu.memory_space<vmem>>) target_semaphore(%arg43 : memref<!tpu.dma_semaphore, #tpu.memory_space<semaphore_mem>>)
        %dma_start3A_599 = tpu.memref_slice %arg4[%add3A_596] : memref<320000xi32, #tpu.memory_space<hbm>> -> memref<40xi32, #tpu.memory_space<hbm>>
        %dma_start3A_600 = tpu.memref_slice %arg4[%add3A_596] : memref<320000xi32, #tpu.memory_space<hbm>> -> memref<40xi32, #tpu.memory_space<hbm>>
        tpu.enqueue_dma source(%dma_start3A_600 : memref<40xi32, #tpu.memory_space<hbm>>) target(%arg22 : memref<40xi32, #tpu.memory_space<vmem>>) target_semaphore(%arg43 : memref<!tpu.dma_semaphore, #tpu.memory_space<semaphore_mem>>)
      } else {
      }
      %add3A_323 = arith.constant 5 : i32
      %add3A_324 = arith.addi %add3A_298, %add3A_323 : i32
      %lt3A_325 = arith.constant 250 : i32
      %lt3A_326 = arith.cmpi slt, %add3A_324, %lt3A_325 : i32
      %convert_element_type3A_327 = arith.extui %lt3A_326 : i1 to i32
      %cond3A_328 = arith.constant 0 : i32
      %cond3A_329 = arith.cmpi ne, %convert_element_type3A_327, %cond3A_328 : i32
      scf.if %cond3A_329 {
        %dma_wait3A_594 = arith.constant 0 : i32
        %dma_wait3A_595 = tpu.memref_slice %arg3[%dma_wait3A_594] : memref<320000xi32, #tpu.memory_space<hbm>> -> memref<40xi32, #tpu.memory_space<hbm>>
        %dma_wait3A_596 = arith.constant 0 : i32
        %dma_wait3A_597 = tpu.memref_slice %arg3[%dma_wait3A_596] : memref<320000xi32, #tpu.memory_space<hbm>> -> memref<40xi32, #tpu.memory_space<hbm>>
        tpu.wait_dma2 semaphore(%arg53 : memref<!tpu.dma_semaphore, #tpu.memory_space<semaphore_mem>>) src(%dma_wait3A_597 : memref<40xi32, #tpu.memory_space<hbm>>) dst(%arg18 : memref<40xi32, #tpu.memory_space<vmem>>)
        %dma_wait3A_598 = arith.constant 0 : i32
        %dma_wait3A_599 = tpu.memref_slice %arg4[%dma_wait3A_598] : memref<320000xi32, #tpu.memory_space<hbm>> -> memref<40xi32, #tpu.memory_space<hbm>>
        %dma_wait3A_600 = arith.constant 0 : i32
        %dma_wait3A_601 = tpu.memref_slice %arg4[%dma_wait3A_600] : memref<320000xi32, #tpu.memory_space<hbm>> -> memref<40xi32, #tpu.memory_space<hbm>>
        tpu.wait_dma2 semaphore(%arg53 : memref<!tpu.dma_semaphore, #tpu.memory_space<semaphore_mem>>) src(%dma_wait3A_601 : memref<40xi32, #tpu.memory_space<hbm>>) dst(%arg32 : memref<40xi32, #tpu.memory_space<vmem>>)
        %dma_start3A_602 = arith.constant 0 : i32
        %dma_start3A_603 = arith.constant 0 : i32
        %dma_start3A_604 = tpu.memref_slice %arg2[%dma_start3A_602, %dma_start3A_603] : memref<10000x128xf32, #tpu.memory_space<hbm>> -> memref<10000x128xf32, #tpu.memory_space<hbm>>
        tpu.enqueue_indirect_dma source(%dma_start3A_604 : memref<10000x128xf32, #tpu.memory_space<hbm>>) target(%arg39 : memref<40x128xf32, #tpu.memory_space<vmem>>) offsets(%arg18 : memref<40xi32, #tpu.memory_space<vmem>>) semaphore(%arg60 : memref<!tpu.dma_semaphore, #tpu.memory_space<semaphore_mem>>)
      } else {
      }
      %add3A_330 = arith.constant 6 : i32
      %add3A_331 = arith.addi %mul3A_135, %add3A_330 : i32
      %lt3A_332 = arith.constant 250 : i32
      %lt3A_333 = arith.cmpi slt, %add3A_331, %lt3A_332 : i32
      %convert_element_type3A_334 = arith.extui %lt3A_333 : i1 to i32
      %cond3A_335 = arith.constant 0 : i32
      %cond3A_336 = arith.cmpi ne, %convert_element_type3A_334, %cond3A_335 : i32
      scf.if %cond3A_336 {
        %dma_wait3A_594 = arith.constant 0 : i32
        %dma_wait3A_595 = arith.constant 0 : i32
        %dma_wait3A_596 = tpu.memref_slice %arg2[%dma_wait3A_594, %dma_wait3A_595] : memref<10000x128xf32, #tpu.memory_space<hbm>> -> memref<10000x128xf32, #tpu.memory_space<hbm>>
        tpu.wait_indirect_dma semaphore(%arg63 : memref<!tpu.dma_semaphore, #tpu.memory_space<semaphore_mem>>) src(%dma_wait3A_596 : memref<10000x128xf32, #tpu.memory_space<hbm>>) dst(%arg42 : memref<40x128xf32, #tpu.memory_space<vmem>>)
        %dma_start3A_597 = arith.constant 0 : i32
        %dma_start3A_598 = arith.constant 0 : i32
        %dma_start3A_599 = tpu.memref_slice %arg7[%dma_start3A_597, %dma_start3A_598] : memref<10008x128xf32, #tpu.memory_space<vmem_shared>> -> memref<10008x128xf32, #tpu.memory_space<vmem_shared>>
        tpu.enqueue_indirect_dma source(%arg42 : memref<40x128xf32, #tpu.memory_space<vmem>>) target(%dma_start3A_599 : memref<10008x128xf32, #tpu.memory_space<vmem_shared>>) offsets(%arg28 : memref<40xi32, #tpu.memory_space<vmem>>) semaphore(%arg70 : memref<!tpu.dma_semaphore, #tpu.memory_space<semaphore_mem>>) {add = true}
      } else {
      }
      %ge3A_337 = arith.constant 2 : i32
      %ge3A_338 = arith.cmpi sge, %add3A_331, %ge3A_337 : i32
      %sub3A_339 = arith.constant 2 : i32
      %sub3A_340 = arith.subi %add3A_331, %sub3A_339 : i32
      %lt3A_341 = arith.constant 250 : i32
      %lt3A_342 = arith.cmpi slt, %sub3A_340, %lt3A_341 : i32
      %and3A_343 = arith.andi %ge3A_338, %lt3A_342 : i1
      %convert_element_type3A_344 = arith.extui %and3A_343 : i1 to i32
      %cond3A_345 = arith.constant 0 : i32
      %cond3A_346 = arith.cmpi ne, %convert_element_type3A_344, %cond3A_345 : i32
      scf.if %cond3A_346 {
        %dma_wait3A_594 = arith.constant 0 : i32
        %dma_wait3A_595 = arith.constant 0 : i32
        %dma_wait3A_596 = tpu.memref_slice %arg7[%dma_wait3A_594, %dma_wait3A_595] : memref<10008x128xf32, #tpu.memory_space<vmem_shared>> -> memref<10008x128xf32, #tpu.memory_space<vmem_shared>>
        tpu.wait_indirect_dma semaphore(%arg68 : memref<!tpu.dma_semaphore, #tpu.memory_space<semaphore_mem>>) src(%arg40 : memref<40x128xf32, #tpu.memory_space<vmem>>) dst(%dma_wait3A_596 : memref<10008x128xf32, #tpu.memory_space<vmem_shared>>)
      } else {
      }
      %add3A_347 = arith.constant 5 : i32
      %add3A_348 = arith.addi %add3A_331, %add3A_347 : i32
      %add3A_349 = arith.constant 4 : i32
      %add3A_350 = arith.addi %add3A_348, %add3A_349 : i32
      %lt3A_351 = arith.constant 250 : i32
      %lt3A_352 = arith.cmpi slt, %add3A_350, %lt3A_351 : i32
      %convert_element_type3A_353 = arith.extui %lt3A_352 : i1 to i32
      %cond3A_354 = arith.constant 0 : i32
      %cond3A_355 = arith.cmpi ne, %convert_element_type3A_353, %cond3A_354 : i32
      scf.if %cond3A_355 {
        %mul3A_594 = arith.constant 40 : i32
        %mul3A_595 = arith.muli %add3A_350, %mul3A_594 : i32
        %add3A_596 = arith.addi %mul3A_9, %mul3A_595 : i32
        %dma_start3A_597 = tpu.memref_slice %arg3[%add3A_596] : memref<320000xi32, #tpu.memory_space<hbm>> -> memref<40xi32, #tpu.memory_space<hbm>>
        %dma_start3A_598 = tpu.memref_slice %arg3[%add3A_596] : memref<320000xi32, #tpu.memory_space<hbm>> -> memref<40xi32, #tpu.memory_space<hbm>>
        tpu.enqueue_dma source(%dma_start3A_598 : memref<40xi32, #tpu.memory_space<hbm>>) target(%arg9 : memref<40xi32, #tpu.memory_space<vmem>>) target_semaphore(%arg44 : memref<!tpu.dma_semaphore, #tpu.memory_space<semaphore_mem>>)
        %dma_start3A_599 = tpu.memref_slice %arg4[%add3A_596] : memref<320000xi32, #tpu.memory_space<hbm>> -> memref<40xi32, #tpu.memory_space<hbm>>
        %dma_start3A_600 = tpu.memref_slice %arg4[%add3A_596] : memref<320000xi32, #tpu.memory_space<hbm>> -> memref<40xi32, #tpu.memory_space<hbm>>
        tpu.enqueue_dma source(%dma_start3A_600 : memref<40xi32, #tpu.memory_space<hbm>>) target(%arg23 : memref<40xi32, #tpu.memory_space<vmem>>) target_semaphore(%arg44 : memref<!tpu.dma_semaphore, #tpu.memory_space<semaphore_mem>>)
      } else {
      }
      %add3A_356 = arith.constant 5 : i32
      %add3A_357 = arith.addi %add3A_331, %add3A_356 : i32
      %lt3A_358 = arith.constant 250 : i32
      %lt3A_359 = arith.cmpi slt, %add3A_357, %lt3A_358 : i32
      %convert_element_type3A_360 = arith.extui %lt3A_359 : i1 to i32
      %cond3A_361 = arith.constant 0 : i32
      %cond3A_362 = arith.cmpi ne, %convert_element_type3A_360, %cond3A_361 : i32
      scf.if %cond3A_362 {
        %dma_wait3A_594 = arith.constant 0 : i32
        %dma_wait3A_595 = tpu.memref_slice %arg3[%dma_wait3A_594] : memref<320000xi32, #tpu.memory_space<hbm>> -> memref<40xi32, #tpu.memory_space<hbm>>
        %dma_wait3A_596 = arith.constant 0 : i32
        %dma_wait3A_597 = tpu.memref_slice %arg3[%dma_wait3A_596] : memref<320000xi32, #tpu.memory_space<hbm>> -> memref<40xi32, #tpu.memory_space<hbm>>
        tpu.wait_dma2 semaphore(%arg54 : memref<!tpu.dma_semaphore, #tpu.memory_space<semaphore_mem>>) src(%dma_wait3A_597 : memref<40xi32, #tpu.memory_space<hbm>>) dst(%arg19 : memref<40xi32, #tpu.memory_space<vmem>>)
        %dma_wait3A_598 = arith.constant 0 : i32
        %dma_wait3A_599 = tpu.memref_slice %arg4[%dma_wait3A_598] : memref<320000xi32, #tpu.memory_space<hbm>> -> memref<40xi32, #tpu.memory_space<hbm>>
        %dma_wait3A_600 = arith.constant 0 : i32
        %dma_wait3A_601 = tpu.memref_slice %arg4[%dma_wait3A_600] : memref<320000xi32, #tpu.memory_space<hbm>> -> memref<40xi32, #tpu.memory_space<hbm>>
        tpu.wait_dma2 semaphore(%arg54 : memref<!tpu.dma_semaphore, #tpu.memory_space<semaphore_mem>>) src(%dma_wait3A_601 : memref<40xi32, #tpu.memory_space<hbm>>) dst(%arg33 : memref<40xi32, #tpu.memory_space<vmem>>)
        %dma_start3A_602 = arith.constant 0 : i32
        %dma_start3A_603 = arith.constant 0 : i32
        %dma_start3A_604 = tpu.memref_slice %arg2[%dma_start3A_602, %dma_start3A_603] : memref<10000x128xf32, #tpu.memory_space<hbm>> -> memref<10000x128xf32, #tpu.memory_space<hbm>>
        tpu.enqueue_indirect_dma source(%dma_start3A_604 : memref<10000x128xf32, #tpu.memory_space<hbm>>) target(%arg40 : memref<40x128xf32, #tpu.memory_space<vmem>>) offsets(%arg19 : memref<40xi32, #tpu.memory_space<vmem>>) semaphore(%arg61 : memref<!tpu.dma_semaphore, #tpu.memory_space<semaphore_mem>>)
      } else {
      }
      %add3A_363 = arith.constant 7 : i32
      %add3A_364 = arith.addi %mul3A_135, %add3A_363 : i32
      %lt3A_365 = arith.constant 250 : i32
      %lt3A_366 = arith.cmpi slt, %add3A_364, %lt3A_365 : i32
      %convert_element_type3A_367 = arith.extui %lt3A_366 : i1 to i32
      %cond3A_368 = arith.constant 0 : i32
      %cond3A_369 = arith.cmpi ne, %convert_element_type3A_367, %cond3A_368 : i32
      scf.if %cond3A_369 {
        %dma_wait3A_594 = arith.constant 0 : i32
        %dma_wait3A_595 = arith.constant 0 : i32
        %dma_wait3A_596 = tpu.memref_slice %arg2[%dma_wait3A_594, %dma_wait3A_595] : memref<10000x128xf32, #tpu.memory_space<hbm>> -> memref<10000x128xf32, #tpu.memory_space<hbm>>
        tpu.wait_indirect_dma semaphore(%arg57 : memref<!tpu.dma_semaphore, #tpu.memory_space<semaphore_mem>>) src(%dma_wait3A_596 : memref<10000x128xf32, #tpu.memory_space<hbm>>) dst(%arg36 : memref<40x128xf32, #tpu.memory_space<vmem>>)
        %dma_start3A_597 = arith.constant 0 : i32
        %dma_start3A_598 = arith.constant 0 : i32
        %dma_start3A_599 = tpu.memref_slice %arg7[%dma_start3A_597, %dma_start3A_598] : memref<10008x128xf32, #tpu.memory_space<vmem_shared>> -> memref<10008x128xf32, #tpu.memory_space<vmem_shared>>
        tpu.enqueue_indirect_dma source(%arg36 : memref<40x128xf32, #tpu.memory_space<vmem>>) target(%dma_start3A_599 : memref<10008x128xf32, #tpu.memory_space<vmem_shared>>) offsets(%arg29 : memref<40xi32, #tpu.memory_space<vmem>>) semaphore(%arg64 : memref<!tpu.dma_semaphore, #tpu.memory_space<semaphore_mem>>) {add = true}
      } else {
      }
      %ge3A_370 = arith.constant 2 : i32
      %ge3A_371 = arith.cmpi sge, %add3A_364, %ge3A_370 : i32
      %sub3A_372 = arith.constant 2 : i32
      %sub3A_373 = arith.subi %add3A_364, %sub3A_372 : i32
      %lt3A_374 = arith.constant 250 : i32
      %lt3A_375 = arith.cmpi slt, %sub3A_373, %lt3A_374 : i32
      %and3A_376 = arith.andi %ge3A_371, %lt3A_375 : i1
      %convert_element_type3A_377 = arith.extui %and3A_376 : i1 to i32
      %cond3A_378 = arith.constant 0 : i32
      %cond3A_379 = arith.cmpi ne, %convert_element_type3A_377, %cond3A_378 : i32
      scf.if %cond3A_379 {
        %dma_wait3A_594 = arith.constant 0 : i32
        %dma_wait3A_595 = arith.constant 0 : i32
        %dma_wait3A_596 = tpu.memref_slice %arg7[%dma_wait3A_594, %dma_wait3A_595] : memref<10008x128xf32, #tpu.memory_space<vmem_shared>> -> memref<10008x128xf32, #tpu.memory_space<vmem_shared>>
        tpu.wait_indirect_dma semaphore(%arg69 : memref<!tpu.dma_semaphore, #tpu.memory_space<semaphore_mem>>) src(%arg41 : memref<40x128xf32, #tpu.memory_space<vmem>>) dst(%dma_wait3A_596 : memref<10008x128xf32, #tpu.memory_space<vmem_shared>>)
      } else {
      }
      %add3A_380 = arith.constant 5 : i32
      %add3A_381 = arith.addi %add3A_364, %add3A_380 : i32
      %add3A_382 = arith.constant 4 : i32
      %add3A_383 = arith.addi %add3A_381, %add3A_382 : i32
      %lt3A_384 = arith.constant 250 : i32
      %lt3A_385 = arith.cmpi slt, %add3A_383, %lt3A_384 : i32
      %convert_element_type3A_386 = arith.extui %lt3A_385 : i1 to i32
      %cond3A_387 = arith.constant 0 : i32
      %cond3A_388 = arith.cmpi ne, %convert_element_type3A_386, %cond3A_387 : i32
      scf.if %cond3A_388 {
        %mul3A_594 = arith.constant 40 : i32
        %mul3A_595 = arith.muli %add3A_383, %mul3A_594 : i32
        %add3A_596 = arith.addi %mul3A_9, %mul3A_595 : i32
        %dma_start3A_597 = tpu.memref_slice %arg3[%add3A_596] : memref<320000xi32, #tpu.memory_space<hbm>> -> memref<40xi32, #tpu.memory_space<hbm>>
        %dma_start3A_598 = tpu.memref_slice %arg3[%add3A_596] : memref<320000xi32, #tpu.memory_space<hbm>> -> memref<40xi32, #tpu.memory_space<hbm>>
        tpu.enqueue_dma source(%dma_start3A_598 : memref<40xi32, #tpu.memory_space<hbm>>) target(%arg10 : memref<40xi32, #tpu.memory_space<vmem>>) target_semaphore(%arg45 : memref<!tpu.dma_semaphore, #tpu.memory_space<semaphore_mem>>)
        %dma_start3A_599 = tpu.memref_slice %arg4[%add3A_596] : memref<320000xi32, #tpu.memory_space<hbm>> -> memref<40xi32, #tpu.memory_space<hbm>>
        %dma_start3A_600 = tpu.memref_slice %arg4[%add3A_596] : memref<320000xi32, #tpu.memory_space<hbm>> -> memref<40xi32, #tpu.memory_space<hbm>>
        tpu.enqueue_dma source(%dma_start3A_600 : memref<40xi32, #tpu.memory_space<hbm>>) target(%arg24 : memref<40xi32, #tpu.memory_space<vmem>>) target_semaphore(%arg45 : memref<!tpu.dma_semaphore, #tpu.memory_space<semaphore_mem>>)
      } else {
      }
      %add3A_389 = arith.constant 5 : i32
      %add3A_390 = arith.addi %add3A_364, %add3A_389 : i32
      %lt3A_391 = arith.constant 250 : i32
      %lt3A_392 = arith.cmpi slt, %add3A_390, %lt3A_391 : i32
      %convert_element_type3A_393 = arith.extui %lt3A_392 : i1 to i32
      %cond3A_394 = arith.constant 0 : i32
      %cond3A_395 = arith.cmpi ne, %convert_element_type3A_393, %cond3A_394 : i32
      scf.if %cond3A_395 {
        %dma_wait3A_594 = arith.constant 0 : i32
        %dma_wait3A_595 = tpu.memref_slice %arg3[%dma_wait3A_594] : memref<320000xi32, #tpu.memory_space<hbm>> -> memref<40xi32, #tpu.memory_space<hbm>>
        %dma_wait3A_596 = arith.constant 0 : i32
        %dma_wait3A_597 = tpu.memref_slice %arg3[%dma_wait3A_596] : memref<320000xi32, #tpu.memory_space<hbm>> -> memref<40xi32, #tpu.memory_space<hbm>>
        tpu.wait_dma2 semaphore(%arg55 : memref<!tpu.dma_semaphore, #tpu.memory_space<semaphore_mem>>) src(%dma_wait3A_597 : memref<40xi32, #tpu.memory_space<hbm>>) dst(%arg20 : memref<40xi32, #tpu.memory_space<vmem>>)
        %dma_wait3A_598 = arith.constant 0 : i32
        %dma_wait3A_599 = tpu.memref_slice %arg4[%dma_wait3A_598] : memref<320000xi32, #tpu.memory_space<hbm>> -> memref<40xi32, #tpu.memory_space<hbm>>
        %dma_wait3A_600 = arith.constant 0 : i32
        %dma_wait3A_601 = tpu.memref_slice %arg4[%dma_wait3A_600] : memref<320000xi32, #tpu.memory_space<hbm>> -> memref<40xi32, #tpu.memory_space<hbm>>
        tpu.wait_dma2 semaphore(%arg55 : memref<!tpu.dma_semaphore, #tpu.memory_space<semaphore_mem>>) src(%dma_wait3A_601 : memref<40xi32, #tpu.memory_space<hbm>>) dst(%arg34 : memref<40xi32, #tpu.memory_space<vmem>>)
        %dma_start3A_602 = arith.constant 0 : i32
        %dma_start3A_603 = arith.constant 0 : i32
        %dma_start3A_604 = tpu.memref_slice %arg2[%dma_start3A_602, %dma_start3A_603] : memref<10000x128xf32, #tpu.memory_space<hbm>> -> memref<10000x128xf32, #tpu.memory_space<hbm>>
        tpu.enqueue_indirect_dma source(%dma_start3A_604 : memref<10000x128xf32, #tpu.memory_space<hbm>>) target(%arg41 : memref<40x128xf32, #tpu.memory_space<vmem>>) offsets(%arg20 : memref<40xi32, #tpu.memory_space<vmem>>) semaphore(%arg62 : memref<!tpu.dma_semaphore, #tpu.memory_space<semaphore_mem>>)
      } else {
      }
      %add3A_396 = arith.constant 8 : i32
      %add3A_397 = arith.addi %mul3A_135, %add3A_396 : i32
      %lt3A_398 = arith.constant 250 : i32
      %lt3A_399 = arith.cmpi slt, %add3A_397, %lt3A_398 : i32
      %convert_element_type3A_400 = arith.extui %lt3A_399 : i1 to i32
      %cond3A_401 = arith.constant 0 : i32
      %cond3A_402 = arith.cmpi ne, %convert_element_type3A_400, %cond3A_401 : i32
      scf.if %cond3A_402 {
        %dma_wait3A_594 = arith.constant 0 : i32
        %dma_wait3A_595 = arith.constant 0 : i32
        %dma_wait3A_596 = tpu.memref_slice %arg2[%dma_wait3A_594, %dma_wait3A_595] : memref<10000x128xf32, #tpu.memory_space<hbm>> -> memref<10000x128xf32, #tpu.memory_space<hbm>>
        tpu.wait_indirect_dma semaphore(%arg58 : memref<!tpu.dma_semaphore, #tpu.memory_space<semaphore_mem>>) src(%dma_wait3A_596 : memref<10000x128xf32, #tpu.memory_space<hbm>>) dst(%arg37 : memref<40x128xf32, #tpu.memory_space<vmem>>)
        %dma_start3A_597 = arith.constant 0 : i32
        %dma_start3A_598 = arith.constant 0 : i32
        %dma_start3A_599 = tpu.memref_slice %arg7[%dma_start3A_597, %dma_start3A_598] : memref<10008x128xf32, #tpu.memory_space<vmem_shared>> -> memref<10008x128xf32, #tpu.memory_space<vmem_shared>>
        tpu.enqueue_indirect_dma source(%arg37 : memref<40x128xf32, #tpu.memory_space<vmem>>) target(%dma_start3A_599 : memref<10008x128xf32, #tpu.memory_space<vmem_shared>>) offsets(%arg30 : memref<40xi32, #tpu.memory_space<vmem>>) semaphore(%arg65 : memref<!tpu.dma_semaphore, #tpu.memory_space<semaphore_mem>>) {add = true}
      } else {
      }
      %ge3A_403 = arith.constant 2 : i32
      %ge3A_404 = arith.cmpi sge, %add3A_397, %ge3A_403 : i32
      %sub3A_405 = arith.constant 2 : i32
      %sub3A_406 = arith.subi %add3A_397, %sub3A_405 : i32
      %lt3A_407 = arith.constant 250 : i32
      %lt3A_408 = arith.cmpi slt, %sub3A_406, %lt3A_407 : i32
      %and3A_409 = arith.andi %ge3A_404, %lt3A_408 : i1
      %convert_element_type3A_410 = arith.extui %and3A_409 : i1 to i32
      %cond3A_411 = arith.constant 0 : i32
      %cond3A_412 = arith.cmpi ne, %convert_element_type3A_410, %cond3A_411 : i32
      scf.if %cond3A_412 {
        %dma_wait3A_594 = arith.constant 0 : i32
        %dma_wait3A_595 = arith.constant 0 : i32
        %dma_wait3A_596 = tpu.memref_slice %arg7[%dma_wait3A_594, %dma_wait3A_595] : memref<10008x128xf32, #tpu.memory_space<vmem_shared>> -> memref<10008x128xf32, #tpu.memory_space<vmem_shared>>
        tpu.wait_indirect_dma semaphore(%arg70 : memref<!tpu.dma_semaphore, #tpu.memory_space<semaphore_mem>>) src(%arg42 : memref<40x128xf32, #tpu.memory_space<vmem>>) dst(%dma_wait3A_596 : memref<10008x128xf32, #tpu.memory_space<vmem_shared>>)
      } else {
      }
      %add3A_413 = arith.constant 5 : i32
      %add3A_414 = arith.addi %add3A_397, %add3A_413 : i32
      %add3A_415 = arith.constant 4 : i32
      %add3A_416 = arith.addi %add3A_414, %add3A_415 : i32
      %lt3A_417 = arith.constant 250 : i32
      %lt3A_418 = arith.cmpi slt, %add3A_416, %lt3A_417 : i32
      %convert_element_type3A_419 = arith.extui %lt3A_418 : i1 to i32
      %cond3A_420 = arith.constant 0 : i32
      %cond3A_421 = arith.cmpi ne, %convert_element_type3A_419, %cond3A_420 : i32
      scf.if %cond3A_421 {
        %mul3A_594 = arith.constant 40 : i32
        %mul3A_595 = arith.muli %add3A_416, %mul3A_594 : i32
        %add3A_596 = arith.addi %mul3A_9, %mul3A_595 : i32
        %dma_start3A_597 = tpu.memref_slice %arg3[%add3A_596] : memref<320000xi32, #tpu.memory_space<hbm>> -> memref<40xi32, #tpu.memory_space<hbm>>
        %dma_start3A_598 = tpu.memref_slice %arg3[%add3A_596] : memref<320000xi32, #tpu.memory_space<hbm>> -> memref<40xi32, #tpu.memory_space<hbm>>
        tpu.enqueue_dma source(%dma_start3A_598 : memref<40xi32, #tpu.memory_space<hbm>>) target(%arg11 : memref<40xi32, #tpu.memory_space<vmem>>) target_semaphore(%arg46 : memref<!tpu.dma_semaphore, #tpu.memory_space<semaphore_mem>>)
        %dma_start3A_599 = tpu.memref_slice %arg4[%add3A_596] : memref<320000xi32, #tpu.memory_space<hbm>> -> memref<40xi32, #tpu.memory_space<hbm>>
        %dma_start3A_600 = tpu.memref_slice %arg4[%add3A_596] : memref<320000xi32, #tpu.memory_space<hbm>> -> memref<40xi32, #tpu.memory_space<hbm>>
        tpu.enqueue_dma source(%dma_start3A_600 : memref<40xi32, #tpu.memory_space<hbm>>) target(%arg25 : memref<40xi32, #tpu.memory_space<vmem>>) target_semaphore(%arg46 : memref<!tpu.dma_semaphore, #tpu.memory_space<semaphore_mem>>)
      } else {
      }
      %add3A_422 = arith.constant 5 : i32
      %add3A_423 = arith.addi %add3A_397, %add3A_422 : i32
      %lt3A_424 = arith.constant 250 : i32
      %lt3A_425 = arith.cmpi slt, %add3A_423, %lt3A_424 : i32
      %convert_element_type3A_426 = arith.extui %lt3A_425 : i1 to i32
      %cond3A_427 = arith.constant 0 : i32
      %cond3A_428 = arith.cmpi ne, %convert_element_type3A_426, %cond3A_427 : i32
      scf.if %cond3A_428 {
        %dma_wait3A_594 = arith.constant 0 : i32
        %dma_wait3A_595 = tpu.memref_slice %arg3[%dma_wait3A_594] : memref<320000xi32, #tpu.memory_space<hbm>> -> memref<40xi32, #tpu.memory_space<hbm>>
        %dma_wait3A_596 = arith.constant 0 : i32
        %dma_wait3A_597 = tpu.memref_slice %arg3[%dma_wait3A_596] : memref<320000xi32, #tpu.memory_space<hbm>> -> memref<40xi32, #tpu.memory_space<hbm>>
        tpu.wait_dma2 semaphore(%arg56 : memref<!tpu.dma_semaphore, #tpu.memory_space<semaphore_mem>>) src(%dma_wait3A_597 : memref<40xi32, #tpu.memory_space<hbm>>) dst(%arg21 : memref<40xi32, #tpu.memory_space<vmem>>)
        %dma_wait3A_598 = arith.constant 0 : i32
        %dma_wait3A_599 = tpu.memref_slice %arg4[%dma_wait3A_598] : memref<320000xi32, #tpu.memory_space<hbm>> -> memref<40xi32, #tpu.memory_space<hbm>>
        %dma_wait3A_600 = arith.constant 0 : i32
        %dma_wait3A_601 = tpu.memref_slice %arg4[%dma_wait3A_600] : memref<320000xi32, #tpu.memory_space<hbm>> -> memref<40xi32, #tpu.memory_space<hbm>>
        tpu.wait_dma2 semaphore(%arg56 : memref<!tpu.dma_semaphore, #tpu.memory_space<semaphore_mem>>) src(%dma_wait3A_601 : memref<40xi32, #tpu.memory_space<hbm>>) dst(%arg35 : memref<40xi32, #tpu.memory_space<vmem>>)
        %dma_start3A_602 = arith.constant 0 : i32
        %dma_start3A_603 = arith.constant 0 : i32
        %dma_start3A_604 = tpu.memref_slice %arg2[%dma_start3A_602, %dma_start3A_603] : memref<10000x128xf32, #tpu.memory_space<hbm>> -> memref<10000x128xf32, #tpu.memory_space<hbm>>
        tpu.enqueue_indirect_dma source(%dma_start3A_604 : memref<10000x128xf32, #tpu.memory_space<hbm>>) target(%arg42 : memref<40x128xf32, #tpu.memory_space<vmem>>) offsets(%arg21 : memref<40xi32, #tpu.memory_space<vmem>>) semaphore(%arg63 : memref<!tpu.dma_semaphore, #tpu.memory_space<semaphore_mem>>)
      } else {
      }
      %add3A_429 = arith.constant 9 : i32
      %add3A_430 = arith.addi %mul3A_135, %add3A_429 : i32
      %lt3A_431 = arith.constant 250 : i32
      %lt3A_432 = arith.cmpi slt, %add3A_430, %lt3A_431 : i32
      %convert_element_type3A_433 = arith.extui %lt3A_432 : i1 to i32
      %cond3A_434 = arith.constant 0 : i32
      %cond3A_435 = arith.cmpi ne, %convert_element_type3A_433, %cond3A_434 : i32
      scf.if %cond3A_435 {
        %dma_wait3A_594 = arith.constant 0 : i32
        %dma_wait3A_595 = arith.constant 0 : i32
        %dma_wait3A_596 = tpu.memref_slice %arg2[%dma_wait3A_594, %dma_wait3A_595] : memref<10000x128xf32, #tpu.memory_space<hbm>> -> memref<10000x128xf32, #tpu.memory_space<hbm>>
        tpu.wait_indirect_dma semaphore(%arg59 : memref<!tpu.dma_semaphore, #tpu.memory_space<semaphore_mem>>) src(%dma_wait3A_596 : memref<10000x128xf32, #tpu.memory_space<hbm>>) dst(%arg38 : memref<40x128xf32, #tpu.memory_space<vmem>>)
        %dma_start3A_597 = arith.constant 0 : i32
        %dma_start3A_598 = arith.constant 0 : i32
        %dma_start3A_599 = tpu.memref_slice %arg7[%dma_start3A_597, %dma_start3A_598] : memref<10008x128xf32, #tpu.memory_space<vmem_shared>> -> memref<10008x128xf32, #tpu.memory_space<vmem_shared>>
        tpu.enqueue_indirect_dma source(%arg38 : memref<40x128xf32, #tpu.memory_space<vmem>>) target(%dma_start3A_599 : memref<10008x128xf32, #tpu.memory_space<vmem_shared>>) offsets(%arg31 : memref<40xi32, #tpu.memory_space<vmem>>) semaphore(%arg66 : memref<!tpu.dma_semaphore, #tpu.memory_space<semaphore_mem>>) {add = true}
      } else {
      }
      %ge3A_436 = arith.constant 2 : i32
      %ge3A_437 = arith.cmpi sge, %add3A_430, %ge3A_436 : i32
      %sub3A_438 = arith.constant 2 : i32
      %sub3A_439 = arith.subi %add3A_430, %sub3A_438 : i32
      %lt3A_440 = arith.constant 250 : i32
      %lt3A_441 = arith.cmpi slt, %sub3A_439, %lt3A_440 : i32
      %and3A_442 = arith.andi %ge3A_437, %lt3A_441 : i1
      %convert_element_type3A_443 = arith.extui %and3A_442 : i1 to i32
      %cond3A_444 = arith.constant 0 : i32
      %cond3A_445 = arith.cmpi ne, %convert_element_type3A_443, %cond3A_444 : i32
      scf.if %cond3A_445 {
        %dma_wait3A_594 = arith.constant 0 : i32
        %dma_wait3A_595 = arith.constant 0 : i32
        %dma_wait3A_596 = tpu.memref_slice %arg7[%dma_wait3A_594, %dma_wait3A_595] : memref<10008x128xf32, #tpu.memory_space<vmem_shared>> -> memref<10008x128xf32, #tpu.memory_space<vmem_shared>>
        tpu.wait_indirect_dma semaphore(%arg64 : memref<!tpu.dma_semaphore, #tpu.memory_space<semaphore_mem>>) src(%arg36 : memref<40x128xf32, #tpu.memory_space<vmem>>) dst(%dma_wait3A_596 : memref<10008x128xf32, #tpu.memory_space<vmem_shared>>)
      } else {
      }
      %add3A_446 = arith.constant 5 : i32
      %add3A_447 = arith.addi %add3A_430, %add3A_446 : i32
      %add3A_448 = arith.constant 4 : i32
      %add3A_449 = arith.addi %add3A_447, %add3A_448 : i32
      %lt3A_450 = arith.constant 250 : i32
      %lt3A_451 = arith.cmpi slt, %add3A_449, %lt3A_450 : i32
      %convert_element_type3A_452 = arith.extui %lt3A_451 : i1 to i32
      %cond3A_453 = arith.constant 0 : i32
      %cond3A_454 = arith.cmpi ne, %convert_element_type3A_452, %cond3A_453 : i32
      scf.if %cond3A_454 {
        %mul3A_594 = arith.constant 40 : i32
        %mul3A_595 = arith.muli %add3A_449, %mul3A_594 : i32
        %add3A_596 = arith.addi %mul3A_9, %mul3A_595 : i32
        %dma_start3A_597 = tpu.memref_slice %arg3[%add3A_596] : memref<320000xi32, #tpu.memory_space<hbm>> -> memref<40xi32, #tpu.memory_space<hbm>>
        %dma_start3A_598 = tpu.memref_slice %arg3[%add3A_596] : memref<320000xi32, #tpu.memory_space<hbm>> -> memref<40xi32, #tpu.memory_space<hbm>>
        tpu.enqueue_dma source(%dma_start3A_598 : memref<40xi32, #tpu.memory_space<hbm>>) target(%arg12 : memref<40xi32, #tpu.memory_space<vmem>>) target_semaphore(%arg47 : memref<!tpu.dma_semaphore, #tpu.memory_space<semaphore_mem>>)
        %dma_start3A_599 = tpu.memref_slice %arg4[%add3A_596] : memref<320000xi32, #tpu.memory_space<hbm>> -> memref<40xi32, #tpu.memory_space<hbm>>
        %dma_start3A_600 = tpu.memref_slice %arg4[%add3A_596] : memref<320000xi32, #tpu.memory_space<hbm>> -> memref<40xi32, #tpu.memory_space<hbm>>
        tpu.enqueue_dma source(%dma_start3A_600 : memref<40xi32, #tpu.memory_space<hbm>>) target(%arg26 : memref<40xi32, #tpu.memory_space<vmem>>) target_semaphore(%arg47 : memref<!tpu.dma_semaphore, #tpu.memory_space<semaphore_mem>>)
      } else {
      }
      %add3A_455 = arith.constant 5 : i32
      %add3A_456 = arith.addi %add3A_430, %add3A_455 : i32
      %lt3A_457 = arith.constant 250 : i32
      %lt3A_458 = arith.cmpi slt, %add3A_456, %lt3A_457 : i32
      %convert_element_type3A_459 = arith.extui %lt3A_458 : i1 to i32
      %cond3A_460 = arith.constant 0 : i32
      %cond3A_461 = arith.cmpi ne, %convert_element_type3A_459, %cond3A_460 : i32
      scf.if %cond3A_461 {
        %dma_wait3A_594 = arith.constant 0 : i32
        %dma_wait3A_595 = tpu.memref_slice %arg3[%dma_wait3A_594] : memref<320000xi32, #tpu.memory_space<hbm>> -> memref<40xi32, #tpu.memory_space<hbm>>
        %dma_wait3A_596 = arith.constant 0 : i32
        %dma_wait3A_597 = tpu.memref_slice %arg3[%dma_wait3A_596] : memref<320000xi32, #tpu.memory_space<hbm>> -> memref<40xi32, #tpu.memory_space<hbm>>
        tpu.wait_dma2 semaphore(%arg43 : memref<!tpu.dma_semaphore, #tpu.memory_space<semaphore_mem>>) src(%dma_wait3A_597 : memref<40xi32, #tpu.memory_space<hbm>>) dst(%arg8 : memref<40xi32, #tpu.memory_space<vmem>>)
        %dma_wait3A_598 = arith.constant 0 : i32
        %dma_wait3A_599 = tpu.memref_slice %arg4[%dma_wait3A_598] : memref<320000xi32, #tpu.memory_space<hbm>> -> memref<40xi32, #tpu.memory_space<hbm>>
        %dma_wait3A_600 = arith.constant 0 : i32
        %dma_wait3A_601 = tpu.memref_slice %arg4[%dma_wait3A_600] : memref<320000xi32, #tpu.memory_space<hbm>> -> memref<40xi32, #tpu.memory_space<hbm>>
        tpu.wait_dma2 semaphore(%arg43 : memref<!tpu.dma_semaphore, #tpu.memory_space<semaphore_mem>>) src(%dma_wait3A_601 : memref<40xi32, #tpu.memory_space<hbm>>) dst(%arg22 : memref<40xi32, #tpu.memory_space<vmem>>)
        %dma_start3A_602 = arith.constant 0 : i32
        %dma_start3A_603 = arith.constant 0 : i32
        %dma_start3A_604 = tpu.memref_slice %arg2[%dma_start3A_602, %dma_start3A_603] : memref<10000x128xf32, #tpu.memory_space<hbm>> -> memref<10000x128xf32, #tpu.memory_space<hbm>>
        tpu.enqueue_indirect_dma source(%dma_start3A_604 : memref<10000x128xf32, #tpu.memory_space<hbm>>) target(%arg36 : memref<40x128xf32, #tpu.memory_space<vmem>>) offsets(%arg8 : memref<40xi32, #tpu.memory_space<vmem>>) semaphore(%arg57 : memref<!tpu.dma_semaphore, #tpu.memory_space<semaphore_mem>>)
      } else {
      }
      %add3A_462 = arith.constant 10 : i32
      %add3A_463 = arith.addi %mul3A_135, %add3A_462 : i32
      %lt3A_464 = arith.constant 250 : i32
      %lt3A_465 = arith.cmpi slt, %add3A_463, %lt3A_464 : i32
      %convert_element_type3A_466 = arith.extui %lt3A_465 : i1 to i32
      %cond3A_467 = arith.constant 0 : i32
      %cond3A_468 = arith.cmpi ne, %convert_element_type3A_466, %cond3A_467 : i32
      scf.if %cond3A_468 {
        %dma_wait3A_594 = arith.constant 0 : i32
        %dma_wait3A_595 = arith.constant 0 : i32
        %dma_wait3A_596 = tpu.memref_slice %arg2[%dma_wait3A_594, %dma_wait3A_595] : memref<10000x128xf32, #tpu.memory_space<hbm>> -> memref<10000x128xf32, #tpu.memory_space<hbm>>
        tpu.wait_indirect_dma semaphore(%arg60 : memref<!tpu.dma_semaphore, #tpu.memory_space<semaphore_mem>>) src(%dma_wait3A_596 : memref<10000x128xf32, #tpu.memory_space<hbm>>) dst(%arg39 : memref<40x128xf32, #tpu.memory_space<vmem>>)
        %dma_start3A_597 = arith.constant 0 : i32
        %dma_start3A_598 = arith.constant 0 : i32
        %dma_start3A_599 = tpu.memref_slice %arg7[%dma_start3A_597, %dma_start3A_598] : memref<10008x128xf32, #tpu.memory_space<vmem_shared>> -> memref<10008x128xf32, #tpu.memory_space<vmem_shared>>
        tpu.enqueue_indirect_dma source(%arg39 : memref<40x128xf32, #tpu.memory_space<vmem>>) target(%dma_start3A_599 : memref<10008x128xf32, #tpu.memory_space<vmem_shared>>) offsets(%arg32 : memref<40xi32, #tpu.memory_space<vmem>>) semaphore(%arg67 : memref<!tpu.dma_semaphore, #tpu.memory_space<semaphore_mem>>) {add = true}
      } else {
      }
      %ge3A_469 = arith.constant 2 : i32
      %ge3A_470 = arith.cmpi sge, %add3A_463, %ge3A_469 : i32
      %sub3A_471 = arith.constant 2 : i32
      %sub3A_472 = arith.subi %add3A_463, %sub3A_471 : i32
      %lt3A_473 = arith.constant 250 : i32
      %lt3A_474 = arith.cmpi slt, %sub3A_472, %lt3A_473 : i32
      %and3A_475 = arith.andi %ge3A_470, %lt3A_474 : i1
      %convert_element_type3A_476 = arith.extui %and3A_475 : i1 to i32
      %cond3A_477 = arith.constant 0 : i32
      %cond3A_478 = arith.cmpi ne, %convert_element_type3A_476, %cond3A_477 : i32
      scf.if %cond3A_478 {
        %dma_wait3A_594 = arith.constant 0 : i32
        %dma_wait3A_595 = arith.constant 0 : i32
        %dma_wait3A_596 = tpu.memref_slice %arg7[%dma_wait3A_594, %dma_wait3A_595] : memref<10008x128xf32, #tpu.memory_space<vmem_shared>> -> memref<10008x128xf32, #tpu.memory_space<vmem_shared>>
        tpu.wait_indirect_dma semaphore(%arg65 : memref<!tpu.dma_semaphore, #tpu.memory_space<semaphore_mem>>) src(%arg37 : memref<40x128xf32, #tpu.memory_space<vmem>>) dst(%dma_wait3A_596 : memref<10008x128xf32, #tpu.memory_space<vmem_shared>>)
      } else {
      }
      %add3A_479 = arith.constant 5 : i32
      %add3A_480 = arith.addi %add3A_463, %add3A_479 : i32
      %add3A_481 = arith.constant 4 : i32
      %add3A_482 = arith.addi %add3A_480, %add3A_481 : i32
      %lt3A_483 = arith.constant 250 : i32
      %lt3A_484 = arith.cmpi slt, %add3A_482, %lt3A_483 : i32
      %convert_element_type3A_485 = arith.extui %lt3A_484 : i1 to i32
      %cond3A_486 = arith.constant 0 : i32
      %cond3A_487 = arith.cmpi ne, %convert_element_type3A_485, %cond3A_486 : i32
      scf.if %cond3A_487 {
        %mul3A_594 = arith.constant 40 : i32
        %mul3A_595 = arith.muli %add3A_482, %mul3A_594 : i32
        %add3A_596 = arith.addi %mul3A_9, %mul3A_595 : i32
        %dma_start3A_597 = tpu.memref_slice %arg3[%add3A_596] : memref<320000xi32, #tpu.memory_space<hbm>> -> memref<40xi32, #tpu.memory_space<hbm>>
        %dma_start3A_598 = tpu.memref_slice %arg3[%add3A_596] : memref<320000xi32, #tpu.memory_space<hbm>> -> memref<40xi32, #tpu.memory_space<hbm>>
        tpu.enqueue_dma source(%dma_start3A_598 : memref<40xi32, #tpu.memory_space<hbm>>) target(%arg13 : memref<40xi32, #tpu.memory_space<vmem>>) target_semaphore(%arg48 : memref<!tpu.dma_semaphore, #tpu.memory_space<semaphore_mem>>)
        %dma_start3A_599 = tpu.memref_slice %arg4[%add3A_596] : memref<320000xi32, #tpu.memory_space<hbm>> -> memref<40xi32, #tpu.memory_space<hbm>>
        %dma_start3A_600 = tpu.memref_slice %arg4[%add3A_596] : memref<320000xi32, #tpu.memory_space<hbm>> -> memref<40xi32, #tpu.memory_space<hbm>>
        tpu.enqueue_dma source(%dma_start3A_600 : memref<40xi32, #tpu.memory_space<hbm>>) target(%arg27 : memref<40xi32, #tpu.memory_space<vmem>>) target_semaphore(%arg48 : memref<!tpu.dma_semaphore, #tpu.memory_space<semaphore_mem>>)
      } else {
      }
      %add3A_488 = arith.constant 5 : i32
      %add3A_489 = arith.addi %add3A_463, %add3A_488 : i32
      %lt3A_490 = arith.constant 250 : i32
      %lt3A_491 = arith.cmpi slt, %add3A_489, %lt3A_490 : i32
      %convert_element_type3A_492 = arith.extui %lt3A_491 : i1 to i32
      %cond3A_493 = arith.constant 0 : i32
      %cond3A_494 = arith.cmpi ne, %convert_element_type3A_492, %cond3A_493 : i32
      scf.if %cond3A_494 {
        %dma_wait3A_594 = arith.constant 0 : i32
        %dma_wait3A_595 = tpu.memref_slice %arg3[%dma_wait3A_594] : memref<320000xi32, #tpu.memory_space<hbm>> -> memref<40xi32, #tpu.memory_space<hbm>>
        %dma_wait3A_596 = arith.constant 0 : i32
        %dma_wait3A_597 = tpu.memref_slice %arg3[%dma_wait3A_596] : memref<320000xi32, #tpu.memory_space<hbm>> -> memref<40xi32, #tpu.memory_space<hbm>>
        tpu.wait_dma2 semaphore(%arg44 : memref<!tpu.dma_semaphore, #tpu.memory_space<semaphore_mem>>) src(%dma_wait3A_597 : memref<40xi32, #tpu.memory_space<hbm>>) dst(%arg9 : memref<40xi32, #tpu.memory_space<vmem>>)
        %dma_wait3A_598 = arith.constant 0 : i32
        %dma_wait3A_599 = tpu.memref_slice %arg4[%dma_wait3A_598] : memref<320000xi32, #tpu.memory_space<hbm>> -> memref<40xi32, #tpu.memory_space<hbm>>
        %dma_wait3A_600 = arith.constant 0 : i32
        %dma_wait3A_601 = tpu.memref_slice %arg4[%dma_wait3A_600] : memref<320000xi32, #tpu.memory_space<hbm>> -> memref<40xi32, #tpu.memory_space<hbm>>
        tpu.wait_dma2 semaphore(%arg44 : memref<!tpu.dma_semaphore, #tpu.memory_space<semaphore_mem>>) src(%dma_wait3A_601 : memref<40xi32, #tpu.memory_space<hbm>>) dst(%arg23 : memref<40xi32, #tpu.memory_space<vmem>>)
        %dma_start3A_602 = arith.constant 0 : i32
        %dma_start3A_603 = arith.constant 0 : i32
        %dma_start3A_604 = tpu.memref_slice %arg2[%dma_start3A_602, %dma_start3A_603] : memref<10000x128xf32, #tpu.memory_space<hbm>> -> memref<10000x128xf32, #tpu.memory_space<hbm>>
        tpu.enqueue_indirect_dma source(%dma_start3A_604 : memref<10000x128xf32, #tpu.memory_space<hbm>>) target(%arg37 : memref<40x128xf32, #tpu.memory_space<vmem>>) offsets(%arg9 : memref<40xi32, #tpu.memory_space<vmem>>) semaphore(%arg58 : memref<!tpu.dma_semaphore, #tpu.memory_space<semaphore_mem>>)
      } else {
      }
      %add3A_495 = arith.constant 11 : i32
      %add3A_496 = arith.addi %mul3A_135, %add3A_495 : i32
      %lt3A_497 = arith.constant 250 : i32
      %lt3A_498 = arith.cmpi slt, %add3A_496, %lt3A_497 : i32
      %convert_element_type3A_499 = arith.extui %lt3A_498 : i1 to i32
      %cond3A_500 = arith.constant 0 : i32
      %cond3A_501 = arith.cmpi ne, %convert_element_type3A_499, %cond3A_500 : i32
      scf.if %cond3A_501 {
        %dma_wait3A_594 = arith.constant 0 : i32
        %dma_wait3A_595 = arith.constant 0 : i32
        %dma_wait3A_596 = tpu.memref_slice %arg2[%dma_wait3A_594, %dma_wait3A_595] : memref<10000x128xf32, #tpu.memory_space<hbm>> -> memref<10000x128xf32, #tpu.memory_space<hbm>>
        tpu.wait_indirect_dma semaphore(%arg61 : memref<!tpu.dma_semaphore, #tpu.memory_space<semaphore_mem>>) src(%dma_wait3A_596 : memref<10000x128xf32, #tpu.memory_space<hbm>>) dst(%arg40 : memref<40x128xf32, #tpu.memory_space<vmem>>)
        %dma_start3A_597 = arith.constant 0 : i32
        %dma_start3A_598 = arith.constant 0 : i32
        %dma_start3A_599 = tpu.memref_slice %arg7[%dma_start3A_597, %dma_start3A_598] : memref<10008x128xf32, #tpu.memory_space<vmem_shared>> -> memref<10008x128xf32, #tpu.memory_space<vmem_shared>>
        tpu.enqueue_indirect_dma source(%arg40 : memref<40x128xf32, #tpu.memory_space<vmem>>) target(%dma_start3A_599 : memref<10008x128xf32, #tpu.memory_space<vmem_shared>>) offsets(%arg33 : memref<40xi32, #tpu.memory_space<vmem>>) semaphore(%arg68 : memref<!tpu.dma_semaphore, #tpu.memory_space<semaphore_mem>>) {add = true}
      } else {
      }
      %ge3A_502 = arith.constant 2 : i32
      %ge3A_503 = arith.cmpi sge, %add3A_496, %ge3A_502 : i32
      %sub3A_504 = arith.constant 2 : i32
      %sub3A_505 = arith.subi %add3A_496, %sub3A_504 : i32
      %lt3A_506 = arith.constant 250 : i32
      %lt3A_507 = arith.cmpi slt, %sub3A_505, %lt3A_506 : i32
      %and3A_508 = arith.andi %ge3A_503, %lt3A_507 : i1
      %convert_element_type3A_509 = arith.extui %and3A_508 : i1 to i32
      %cond3A_510 = arith.constant 0 : i32
      %cond3A_511 = arith.cmpi ne, %convert_element_type3A_509, %cond3A_510 : i32
      scf.if %cond3A_511 {
        %dma_wait3A_594 = arith.constant 0 : i32
        %dma_wait3A_595 = arith.constant 0 : i32
        %dma_wait3A_596 = tpu.memref_slice %arg7[%dma_wait3A_594, %dma_wait3A_595] : memref<10008x128xf32, #tpu.memory_space<vmem_shared>> -> memref<10008x128xf32, #tpu.memory_space<vmem_shared>>
        tpu.wait_indirect_dma semaphore(%arg66 : memref<!tpu.dma_semaphore, #tpu.memory_space<semaphore_mem>>) src(%arg38 : memref<40x128xf32, #tpu.memory_space<vmem>>) dst(%dma_wait3A_596 : memref<10008x128xf32, #tpu.memory_space<vmem_shared>>)
      } else {
      }
      %add3A_512 = arith.constant 5 : i32
      %add3A_513 = arith.addi %add3A_496, %add3A_512 : i32
      %add3A_514 = arith.constant 4 : i32
      %add3A_515 = arith.addi %add3A_513, %add3A_514 : i32
      %lt3A_516 = arith.constant 250 : i32
      %lt3A_517 = arith.cmpi slt, %add3A_515, %lt3A_516 : i32
      %convert_element_type3A_518 = arith.extui %lt3A_517 : i1 to i32
      %cond3A_519 = arith.constant 0 : i32
      %cond3A_520 = arith.cmpi ne, %convert_element_type3A_518, %cond3A_519 : i32
      scf.if %cond3A_520 {
        %mul3A_594 = arith.constant 40 : i32
        %mul3A_595 = arith.muli %add3A_515, %mul3A_594 : i32
        %add3A_596 = arith.addi %mul3A_9, %mul3A_595 : i32
        %dma_start3A_597 = tpu.memref_slice %arg3[%add3A_596] : memref<320000xi32, #tpu.memory_space<hbm>> -> memref<40xi32, #tpu.memory_space<hbm>>
        %dma_start3A_598 = tpu.memref_slice %arg3[%add3A_596] : memref<320000xi32, #tpu.memory_space<hbm>> -> memref<40xi32, #tpu.memory_space<hbm>>
        tpu.enqueue_dma source(%dma_start3A_598 : memref<40xi32, #tpu.memory_space<hbm>>) target(%arg14 : memref<40xi32, #tpu.memory_space<vmem>>) target_semaphore(%arg49 : memref<!tpu.dma_semaphore, #tpu.memory_space<semaphore_mem>>)
        %dma_start3A_599 = tpu.memref_slice %arg4[%add3A_596] : memref<320000xi32, #tpu.memory_space<hbm>> -> memref<40xi32, #tpu.memory_space<hbm>>
        %dma_start3A_600 = tpu.memref_slice %arg4[%add3A_596] : memref<320000xi32, #tpu.memory_space<hbm>> -> memref<40xi32, #tpu.memory_space<hbm>>
        tpu.enqueue_dma source(%dma_start3A_600 : memref<40xi32, #tpu.memory_space<hbm>>) target(%arg28 : memref<40xi32, #tpu.memory_space<vmem>>) target_semaphore(%arg49 : memref<!tpu.dma_semaphore, #tpu.memory_space<semaphore_mem>>)
      } else {
      }
      %add3A_521 = arith.constant 5 : i32
      %add3A_522 = arith.addi %add3A_496, %add3A_521 : i32
      %lt3A_523 = arith.constant 250 : i32
      %lt3A_524 = arith.cmpi slt, %add3A_522, %lt3A_523 : i32
      %convert_element_type3A_525 = arith.extui %lt3A_524 : i1 to i32
      %cond3A_526 = arith.constant 0 : i32
      %cond3A_527 = arith.cmpi ne, %convert_element_type3A_525, %cond3A_526 : i32
      scf.if %cond3A_527 {
        %dma_wait3A_594 = arith.constant 0 : i32
        %dma_wait3A_595 = tpu.memref_slice %arg3[%dma_wait3A_594] : memref<320000xi32, #tpu.memory_space<hbm>> -> memref<40xi32, #tpu.memory_space<hbm>>
        %dma_wait3A_596 = arith.constant 0 : i32
        %dma_wait3A_597 = tpu.memref_slice %arg3[%dma_wait3A_596] : memref<320000xi32, #tpu.memory_space<hbm>> -> memref<40xi32, #tpu.memory_space<hbm>>
        tpu.wait_dma2 semaphore(%arg45 : memref<!tpu.dma_semaphore, #tpu.memory_space<semaphore_mem>>) src(%dma_wait3A_597 : memref<40xi32, #tpu.memory_space<hbm>>) dst(%arg10 : memref<40xi32, #tpu.memory_space<vmem>>)
        %dma_wait3A_598 = arith.constant 0 : i32
        %dma_wait3A_599 = tpu.memref_slice %arg4[%dma_wait3A_598] : memref<320000xi32, #tpu.memory_space<hbm>> -> memref<40xi32, #tpu.memory_space<hbm>>
        %dma_wait3A_600 = arith.constant 0 : i32
        %dma_wait3A_601 = tpu.memref_slice %arg4[%dma_wait3A_600] : memref<320000xi32, #tpu.memory_space<hbm>> -> memref<40xi32, #tpu.memory_space<hbm>>
        tpu.wait_dma2 semaphore(%arg45 : memref<!tpu.dma_semaphore, #tpu.memory_space<semaphore_mem>>) src(%dma_wait3A_601 : memref<40xi32, #tpu.memory_space<hbm>>) dst(%arg24 : memref<40xi32, #tpu.memory_space<vmem>>)
        %dma_start3A_602 = arith.constant 0 : i32
        %dma_start3A_603 = arith.constant 0 : i32
        %dma_start3A_604 = tpu.memref_slice %arg2[%dma_start3A_602, %dma_start3A_603] : memref<10000x128xf32, #tpu.memory_space<hbm>> -> memref<10000x128xf32, #tpu.memory_space<hbm>>
        tpu.enqueue_indirect_dma source(%dma_start3A_604 : memref<10000x128xf32, #tpu.memory_space<hbm>>) target(%arg38 : memref<40x128xf32, #tpu.memory_space<vmem>>) offsets(%arg10 : memref<40xi32, #tpu.memory_space<vmem>>) semaphore(%arg59 : memref<!tpu.dma_semaphore, #tpu.memory_space<semaphore_mem>>)
      } else {
      }
      %add3A_528 = arith.constant 12 : i32
      %add3A_529 = arith.addi %mul3A_135, %add3A_528 : i32
      %lt3A_530 = arith.constant 250 : i32
      %lt3A_531 = arith.cmpi slt, %add3A_529, %lt3A_530 : i32
      %convert_element_type3A_532 = arith.extui %lt3A_531 : i1 to i32
      %cond3A_533 = arith.constant 0 : i32
      %cond3A_534 = arith.cmpi ne, %convert_element_type3A_532, %cond3A_533 : i32
      scf.if %cond3A_534 {
        %dma_wait3A_594 = arith.constant 0 : i32
        %dma_wait3A_595 = arith.constant 0 : i32
        %dma_wait3A_596 = tpu.memref_slice %arg2[%dma_wait3A_594, %dma_wait3A_595] : memref<10000x128xf32, #tpu.memory_space<hbm>> -> memref<10000x128xf32, #tpu.memory_space<hbm>>
        tpu.wait_indirect_dma semaphore(%arg62 : memref<!tpu.dma_semaphore, #tpu.memory_space<semaphore_mem>>) src(%dma_wait3A_596 : memref<10000x128xf32, #tpu.memory_space<hbm>>) dst(%arg41 : memref<40x128xf32, #tpu.memory_space<vmem>>)
        %dma_start3A_597 = arith.constant 0 : i32
        %dma_start3A_598 = arith.constant 0 : i32
        %dma_start3A_599 = tpu.memref_slice %arg7[%dma_start3A_597, %dma_start3A_598] : memref<10008x128xf32, #tpu.memory_space<vmem_shared>> -> memref<10008x128xf32, #tpu.memory_space<vmem_shared>>
        tpu.enqueue_indirect_dma source(%arg41 : memref<40x128xf32, #tpu.memory_space<vmem>>) target(%dma_start3A_599 : memref<10008x128xf32, #tpu.memory_space<vmem_shared>>) offsets(%arg34 : memref<40xi32, #tpu.memory_space<vmem>>) semaphore(%arg69 : memref<!tpu.dma_semaphore, #tpu.memory_space<semaphore_mem>>) {add = true}
      } else {
      }
      %ge3A_535 = arith.constant 2 : i32
      %ge3A_536 = arith.cmpi sge, %add3A_529, %ge3A_535 : i32
      %sub3A_537 = arith.constant 2 : i32
      %sub3A_538 = arith.subi %add3A_529, %sub3A_537 : i32
      %lt3A_539 = arith.constant 250 : i32
      %lt3A_540 = arith.cmpi slt, %sub3A_538, %lt3A_539 : i32
      %and3A_541 = arith.andi %ge3A_536, %lt3A_540 : i1
      %convert_element_type3A_542 = arith.extui %and3A_541 : i1 to i32
      %cond3A_543 = arith.constant 0 : i32
      %cond3A_544 = arith.cmpi ne, %convert_element_type3A_542, %cond3A_543 : i32
      scf.if %cond3A_544 {
        %dma_wait3A_594 = arith.constant 0 : i32
        %dma_wait3A_595 = arith.constant 0 : i32
        %dma_wait3A_596 = tpu.memref_slice %arg7[%dma_wait3A_594, %dma_wait3A_595] : memref<10008x128xf32, #tpu.memory_space<vmem_shared>> -> memref<10008x128xf32, #tpu.memory_space<vmem_shared>>
        tpu.wait_indirect_dma semaphore(%arg67 : memref<!tpu.dma_semaphore, #tpu.memory_space<semaphore_mem>>) src(%arg39 : memref<40x128xf32, #tpu.memory_space<vmem>>) dst(%dma_wait3A_596 : memref<10008x128xf32, #tpu.memory_space<vmem_shared>>)
      } else {
      }
      %add3A_545 = arith.constant 5 : i32
      %add3A_546 = arith.addi %add3A_529, %add3A_545 : i32
      %add3A_547 = arith.constant 4 : i32
      %add3A_548 = arith.addi %add3A_546, %add3A_547 : i32
      %lt3A_549 = arith.constant 250 : i32
      %lt3A_550 = arith.cmpi slt, %add3A_548, %lt3A_549 : i32
      %convert_element_type3A_551 = arith.extui %lt3A_550 : i1 to i32
      %cond3A_552 = arith.constant 0 : i32
      %cond3A_553 = arith.cmpi ne, %convert_element_type3A_551, %cond3A_552 : i32
      scf.if %cond3A_553 {
        %mul3A_594 = arith.constant 40 : i32
        %mul3A_595 = arith.muli %add3A_548, %mul3A_594 : i32
        %add3A_596 = arith.addi %mul3A_9, %mul3A_595 : i32
        %dma_start3A_597 = tpu.memref_slice %arg3[%add3A_596] : memref<320000xi32, #tpu.memory_space<hbm>> -> memref<40xi32, #tpu.memory_space<hbm>>
        %dma_start3A_598 = tpu.memref_slice %arg3[%add3A_596] : memref<320000xi32, #tpu.memory_space<hbm>> -> memref<40xi32, #tpu.memory_space<hbm>>
        tpu.enqueue_dma source(%dma_start3A_598 : memref<40xi32, #tpu.memory_space<hbm>>) target(%arg15 : memref<40xi32, #tpu.memory_space<vmem>>) target_semaphore(%arg50 : memref<!tpu.dma_semaphore, #tpu.memory_space<semaphore_mem>>)
        %dma_start3A_599 = tpu.memref_slice %arg4[%add3A_596] : memref<320000xi32, #tpu.memory_space<hbm>> -> memref<40xi32, #tpu.memory_space<hbm>>
        %dma_start3A_600 = tpu.memref_slice %arg4[%add3A_596] : memref<320000xi32, #tpu.memory_space<hbm>> -> memref<40xi32, #tpu.memory_space<hbm>>
        tpu.enqueue_dma source(%dma_start3A_600 : memref<40xi32, #tpu.memory_space<hbm>>) target(%arg29 : memref<40xi32, #tpu.memory_space<vmem>>) target_semaphore(%arg50 : memref<!tpu.dma_semaphore, #tpu.memory_space<semaphore_mem>>)
      } else {
      }
      %add3A_554 = arith.constant 5 : i32
      %add3A_555 = arith.addi %add3A_529, %add3A_554 : i32
      %lt3A_556 = arith.constant 250 : i32
      %lt3A_557 = arith.cmpi slt, %add3A_555, %lt3A_556 : i32
      %convert_element_type3A_558 = arith.extui %lt3A_557 : i1 to i32
      %cond3A_559 = arith.constant 0 : i32
      %cond3A_560 = arith.cmpi ne, %convert_element_type3A_558, %cond3A_559 : i32
      scf.if %cond3A_560 {
        %dma_wait3A_594 = arith.constant 0 : i32
        %dma_wait3A_595 = tpu.memref_slice %arg3[%dma_wait3A_594] : memref<320000xi32, #tpu.memory_space<hbm>> -> memref<40xi32, #tpu.memory_space<hbm>>
        %dma_wait3A_596 = arith.constant 0 : i32
        %dma_wait3A_597 = tpu.memref_slice %arg3[%dma_wait3A_596] : memref<320000xi32, #tpu.memory_space<hbm>> -> memref<40xi32, #tpu.memory_space<hbm>>
        tpu.wait_dma2 semaphore(%arg46 : memref<!tpu.dma_semaphore, #tpu.memory_space<semaphore_mem>>) src(%dma_wait3A_597 : memref<40xi32, #tpu.memory_space<hbm>>) dst(%arg11 : memref<40xi32, #tpu.memory_space<vmem>>)
        %dma_wait3A_598 = arith.constant 0 : i32
        %dma_wait3A_599 = tpu.memref_slice %arg4[%dma_wait3A_598] : memref<320000xi32, #tpu.memory_space<hbm>> -> memref<40xi32, #tpu.memory_space<hbm>>
        %dma_wait3A_600 = arith.constant 0 : i32
        %dma_wait3A_601 = tpu.memref_slice %arg4[%dma_wait3A_600] : memref<320000xi32, #tpu.memory_space<hbm>> -> memref<40xi32, #tpu.memory_space<hbm>>
        tpu.wait_dma2 semaphore(%arg46 : memref<!tpu.dma_semaphore, #tpu.memory_space<semaphore_mem>>) src(%dma_wait3A_601 : memref<40xi32, #tpu.memory_space<hbm>>) dst(%arg25 : memref<40xi32, #tpu.memory_space<vmem>>)
        %dma_start3A_602 = arith.constant 0 : i32
        %dma_start3A_603 = arith.constant 0 : i32
        %dma_start3A_604 = tpu.memref_slice %arg2[%dma_start3A_602, %dma_start3A_603] : memref<10000x128xf32, #tpu.memory_space<hbm>> -> memref<10000x128xf32, #tpu.memory_space<hbm>>
        tpu.enqueue_indirect_dma source(%dma_start3A_604 : memref<10000x128xf32, #tpu.memory_space<hbm>>) target(%arg39 : memref<40x128xf32, #tpu.memory_space<vmem>>) offsets(%arg11 : memref<40xi32, #tpu.memory_space<vmem>>) semaphore(%arg60 : memref<!tpu.dma_semaphore, #tpu.memory_space<semaphore_mem>>)
      } else {
      }
      %add3A_561 = arith.constant 13 : i32
      %add3A_562 = arith.addi %mul3A_135, %add3A_561 : i32
      %lt3A_563 = arith.constant 250 : i32
      %lt3A_564 = arith.cmpi slt, %add3A_562, %lt3A_563 : i32
      %convert_element_type3A_565 = arith.extui %lt3A_564 : i1 to i32
      %cond3A_566 = arith.constant 0 : i32
      %cond3A_567 = arith.cmpi ne, %convert_element_type3A_565, %cond3A_566 : i32
      scf.if %cond3A_567 {
        %dma_wait3A_594 = arith.constant 0 : i32
        %dma_wait3A_595 = arith.constant 0 : i32
        %dma_wait3A_596 = tpu.memref_slice %arg2[%dma_wait3A_594, %dma_wait3A_595] : memref<10000x128xf32, #tpu.memory_space<hbm>> -> memref<10000x128xf32, #tpu.memory_space<hbm>>
        tpu.wait_indirect_dma semaphore(%arg63 : memref<!tpu.dma_semaphore, #tpu.memory_space<semaphore_mem>>) src(%dma_wait3A_596 : memref<10000x128xf32, #tpu.memory_space<hbm>>) dst(%arg42 : memref<40x128xf32, #tpu.memory_space<vmem>>)
        %dma_start3A_597 = arith.constant 0 : i32
        %dma_start3A_598 = arith.constant 0 : i32
        %dma_start3A_599 = tpu.memref_slice %arg7[%dma_start3A_597, %dma_start3A_598] : memref<10008x128xf32, #tpu.memory_space<vmem_shared>> -> memref<10008x128xf32, #tpu.memory_space<vmem_shared>>
        tpu.enqueue_indirect_dma source(%arg42 : memref<40x128xf32, #tpu.memory_space<vmem>>) target(%dma_start3A_599 : memref<10008x128xf32, #tpu.memory_space<vmem_shared>>) offsets(%arg35 : memref<40xi32, #tpu.memory_space<vmem>>) semaphore(%arg70 : memref<!tpu.dma_semaphore, #tpu.memory_space<semaphore_mem>>) {add = true}
      } else {
      }
      %ge3A_568 = arith.constant 2 : i32
      %ge3A_569 = arith.cmpi sge, %add3A_562, %ge3A_568 : i32
      %sub3A_570 = arith.constant 2 : i32
      %sub3A_571 = arith.subi %add3A_562, %sub3A_570 : i32
      %lt3A_572 = arith.constant 250 : i32
      %lt3A_573 = arith.cmpi slt, %sub3A_571, %lt3A_572 : i32
      %and3A_574 = arith.andi %ge3A_569, %lt3A_573 : i1
      %convert_element_type3A_575 = arith.extui %and3A_574 : i1 to i32
      %cond3A_576 = arith.constant 0 : i32
      %cond3A_577 = arith.cmpi ne, %convert_element_type3A_575, %cond3A_576 : i32
      scf.if %cond3A_577 {
        %dma_wait3A_594 = arith.constant 0 : i32
        %dma_wait3A_595 = arith.constant 0 : i32
        %dma_wait3A_596 = tpu.memref_slice %arg7[%dma_wait3A_594, %dma_wait3A_595] : memref<10008x128xf32, #tpu.memory_space<vmem_shared>> -> memref<10008x128xf32, #tpu.memory_space<vmem_shared>>
        tpu.wait_indirect_dma semaphore(%arg68 : memref<!tpu.dma_semaphore, #tpu.memory_space<semaphore_mem>>) src(%arg40 : memref<40x128xf32, #tpu.memory_space<vmem>>) dst(%dma_wait3A_596 : memref<10008x128xf32, #tpu.memory_space<vmem_shared>>)
      } else {
      }
      %add3A_578 = arith.constant 5 : i32
      %add3A_579 = arith.addi %add3A_562, %add3A_578 : i32
      %add3A_580 = arith.constant 4 : i32
      %add3A_581 = arith.addi %add3A_579, %add3A_580 : i32
      %lt3A_582 = arith.constant 250 : i32
      %lt3A_583 = arith.cmpi slt, %add3A_581, %lt3A_582 : i32
      %convert_element_type3A_584 = arith.extui %lt3A_583 : i1 to i32
      %cond3A_585 = arith.constant 0 : i32
      %cond3A_586 = arith.cmpi ne, %convert_element_type3A_584, %cond3A_585 : i32
      scf.if %cond3A_586 {
        %mul3A_594 = arith.constant 40 : i32
        %mul3A_595 = arith.muli %add3A_581, %mul3A_594 : i32
        %add3A_596 = arith.addi %mul3A_9, %mul3A_595 : i32
        %dma_start3A_597 = tpu.memref_slice %arg3[%add3A_596] : memref<320000xi32, #tpu.memory_space<hbm>> -> memref<40xi32, #tpu.memory_space<hbm>>
        %dma_start3A_598 = tpu.memref_slice %arg3[%add3A_596] : memref<320000xi32, #tpu.memory_space<hbm>> -> memref<40xi32, #tpu.memory_space<hbm>>
        tpu.enqueue_dma source(%dma_start3A_598 : memref<40xi32, #tpu.memory_space<hbm>>) target(%arg16 : memref<40xi32, #tpu.memory_space<vmem>>) target_semaphore(%arg51 : memref<!tpu.dma_semaphore, #tpu.memory_space<semaphore_mem>>)
        %dma_start3A_599 = tpu.memref_slice %arg4[%add3A_596] : memref<320000xi32, #tpu.memory_space<hbm>> -> memref<40xi32, #tpu.memory_space<hbm>>
        %dma_start3A_600 = tpu.memref_slice %arg4[%add3A_596] : memref<320000xi32, #tpu.memory_space<hbm>> -> memref<40xi32, #tpu.memory_space<hbm>>
        tpu.enqueue_dma source(%dma_start3A_600 : memref<40xi32, #tpu.memory_space<hbm>>) target(%arg30 : memref<40xi32, #tpu.memory_space<vmem>>) target_semaphore(%arg51 : memref<!tpu.dma_semaphore, #tpu.memory_space<semaphore_mem>>)
      } else {
      }
      %add3A_587 = arith.constant 5 : i32
      %add3A_588 = arith.addi %add3A_562, %add3A_587 : i32
      %lt3A_589 = arith.constant 250 : i32
      %lt3A_590 = arith.cmpi slt, %add3A_588, %lt3A_589 : i32
      %convert_element_type3A_591 = arith.extui %lt3A_590 : i1 to i32
      %cond3A_592 = arith.constant 0 : i32
      %cond3A_593 = arith.cmpi ne, %convert_element_type3A_591, %cond3A_592 : i32
      scf.if %cond3A_593 {
        %dma_wait3A_594 = arith.constant 0 : i32
        %dma_wait3A_595 = tpu.memref_slice %arg3[%dma_wait3A_594] : memref<320000xi32, #tpu.memory_space<hbm>> -> memref<40xi32, #tpu.memory_space<hbm>>
        %dma_wait3A_596 = arith.constant 0 : i32
        %dma_wait3A_597 = tpu.memref_slice %arg3[%dma_wait3A_596] : memref<320000xi32, #tpu.memory_space<hbm>> -> memref<40xi32, #tpu.memory_space<hbm>>
        tpu.wait_dma2 semaphore(%arg47 : memref<!tpu.dma_semaphore, #tpu.memory_space<semaphore_mem>>) src(%dma_wait3A_597 : memref<40xi32, #tpu.memory_space<hbm>>) dst(%arg12 : memref<40xi32, #tpu.memory_space<vmem>>)
        %dma_wait3A_598 = arith.constant 0 : i32
        %dma_wait3A_599 = tpu.memref_slice %arg4[%dma_wait3A_598] : memref<320000xi32, #tpu.memory_space<hbm>> -> memref<40xi32, #tpu.memory_space<hbm>>
        %dma_wait3A_600 = arith.constant 0 : i32
        %dma_wait3A_601 = tpu.memref_slice %arg4[%dma_wait3A_600] : memref<320000xi32, #tpu.memory_space<hbm>> -> memref<40xi32, #tpu.memory_space<hbm>>
        tpu.wait_dma2 semaphore(%arg47 : memref<!tpu.dma_semaphore, #tpu.memory_space<semaphore_mem>>) src(%dma_wait3A_601 : memref<40xi32, #tpu.memory_space<hbm>>) dst(%arg26 : memref<40xi32, #tpu.memory_space<vmem>>)
        %dma_start3A_602 = arith.constant 0 : i32
        %dma_start3A_603 = arith.constant 0 : i32
        %dma_start3A_604 = tpu.memref_slice %arg2[%dma_start3A_602, %dma_start3A_603] : memref<10000x128xf32, #tpu.memory_space<hbm>> -> memref<10000x128xf32, #tpu.memory_space<hbm>>
        tpu.enqueue_indirect_dma source(%dma_start3A_604 : memref<10000x128xf32, #tpu.memory_space<hbm>>) target(%arg40 : memref<40x128xf32, #tpu.memory_space<vmem>>) offsets(%arg12 : memref<40xi32, #tpu.memory_space<vmem>>) semaphore(%arg61 : memref<!tpu.dma_semaphore, #tpu.memory_space<semaphore_mem>>)
      } else {
      }
    }
    %scan3A_126 = arith.constant 18 : i32
    %barrier3A_127 = arith.constant 0 : index
    tpu.barrier barrier_id(%barrier3A_127)
    "tpu.region"() ({
      %run_scoped3A = tpu.sem_alloc : memref<!tpu.dma_semaphore, #tpu.memory_space<semaphore_mem>>
      %dma_start3A_133 = arith.constant 0 : i32
      %dma_start3A_134 = tpu.memref_slice %arg6[%arg0, %mul3A_2, %dma_start3A_133] : memref<2x10000x128xf32, #tpu.memory_space<hbm>> -> memref<1x624x128xf32, #tpu.memory_space<hbm>>
      %dma_start3A_135 = tpu.memref_squeeze %dma_start3A_134 : memref<1x624x128xf32, #tpu.memory_space<hbm>> -> memref<624x128xf32, #tpu.memory_space<hbm>>
      %dma_start3A_136 = arith.constant 0 : i32
      %dma_start3A_137 = tpu.memref_slice %arg7[%mul3A_2, %dma_start3A_136] : memref<10008x128xf32, #tpu.memory_space<vmem_shared>> -> memref<624x128xf32, #tpu.memory_space<vmem_shared>>
      tpu.enqueue_dma source(%dma_start3A_137 : memref<624x128xf32, #tpu.memory_space<vmem_shared>>) target(%dma_start3A_135 : memref<624x128xf32, #tpu.memory_space<hbm>>) target_semaphore(%run_scoped3A : memref<!tpu.dma_semaphore, #tpu.memory_space<semaphore_mem>>)
      %dma_wait3A_138 = arith.constant 0 : i32
      %dma_wait3A_139 = tpu.memref_slice %arg6[%arg0, %mul3A_2, %dma_wait3A_138] : memref<2x10000x128xf32, #tpu.memory_space<hbm>> -> memref<1x624x128xf32, #tpu.memory_space<hbm>>
      %dma_wait3A_140 = tpu.memref_squeeze %dma_wait3A_139 : memref<1x624x128xf32, #tpu.memory_space<hbm>> -> memref<624x128xf32, #tpu.memory_space<hbm>>
      %dma_wait3A_141 = arith.constant 0 : i32
      %dma_wait3A_142 = tpu.memref_slice %arg7[%mul3A_2, %dma_wait3A_141] : memref<10008x128xf32, #tpu.memory_space<vmem_shared>> -> memref<624x128xf32, #tpu.memory_space<vmem_shared>>
      tpu.wait_dma2 semaphore(%run_scoped3A : memref<!tpu.dma_semaphore, #tpu.memory_space<semaphore_mem>>) src(%dma_wait3A_142 : memref<624x128xf32, #tpu.memory_space<vmem_shared>>) dst(%dma_wait3A_140 : memref<624x128xf32, #tpu.memory_space<hbm>>)
      tpu.yield
    }) : () -> ()
    %eq3A_128 = arith.constant 15 : i32
    %eq3A_129 = arith.cmpi eq, %arg1, %eq3A_128 : i32
    %convert_element_type3A_130 = arith.extui %eq3A_129 : i1 to i32
    %cond3A_131 = arith.constant 0 : i32
    %cond3A_132 = arith.cmpi ne, %convert_element_type3A_130, %cond3A_131 : i32
    scf.if %cond3A_132 {
      "tpu.region"() ({
        %run_scoped3A = tpu.sem_alloc : memref<!tpu.dma_semaphore, #tpu.memory_space<semaphore_mem>>
        %dma_start3A_133 = arith.constant 9984 : i32
        %dma_start3A_134 = arith.constant 0 : i32
        %dma_start3A_135 = tpu.memref_slice %arg6[%arg0, %dma_start3A_133, %dma_start3A_134] : memref<2x10000x128xf32, #tpu.memory_space<hbm>> -> memref<1x16x128xf32, #tpu.memory_space<hbm>>
        %dma_start3A_136 = tpu.memref_squeeze %dma_start3A_135 : memref<1x16x128xf32, #tpu.memory_space<hbm>> -> memref<16x128xf32, #tpu.memory_space<hbm>>
        %dma_start3A_137 = arith.constant 9984 : i32
        %dma_start3A_138 = arith.constant 0 : i32
        %dma_start3A_139 = tpu.memref_slice %arg7[%dma_start3A_137, %dma_start3A_138] : memref<10008x128xf32, #tpu.memory_space<vmem_shared>> -> memref<16x128xf32, #tpu.memory_space<vmem_shared>>
        tpu.enqueue_dma source(%dma_start3A_139 : memref<16x128xf32, #tpu.memory_space<vmem_shared>>) target(%dma_start3A_136 : memref<16x128xf32, #tpu.memory_space<hbm>>) target_semaphore(%run_scoped3A : memref<!tpu.dma_semaphore, #tpu.memory_space<semaphore_mem>>)
        %dma_wait3A_140 = arith.constant 9984 : i32
        %dma_wait3A_141 = arith.constant 0 : i32
        %dma_wait3A_142 = tpu.memref_slice %arg6[%arg0, %dma_wait3A_140, %dma_wait3A_141] : memref<2x10000x128xf32, #tpu.memory_space<hbm>> -> memref<1x16x128xf32, #tpu.memory_space<hbm>>
        %dma_wait3A_143 = tpu.memref_squeeze %dma_wait3A_142 : memref<1x16x128xf32, #tpu.memory_space<hbm>> -> memref<16x128xf32, #tpu.memory_space<hbm>>
        %dma_wait3A_144 = arith.constant 9984 : i32
        %dma_wait3A_145 = arith.constant 0 : i32
        %dma_wait3A_146 = tpu.memref_slice %arg7[%dma_wait3A_144, %dma_wait3A_145] : memref<10008x128xf32, #tpu.memory_space<vmem_shared>> -> memref<16x128xf32, #tpu.memory_space<vmem_shared>>
        tpu.wait_dma2 semaphore(%run_scoped3A : memref<!tpu.dma_semaphore, #tpu.memory_space<semaphore_mem>>) src(%dma_wait3A_146 : memref<16x128xf32, #tpu.memory_space<vmem_shared>>) dst(%dma_wait3A_143 : memref<16x128xf32, #tpu.memory_space<hbm>>)
        tpu.yield
      }) : () -> ()
    } else {
    }
    return
  }
}

module attributes {stable_mosaic.version = 14 : i64} {
  func.func @body(%arg0: i32, %arg1: memref<2x2000x128xf32, #tpu.memory_space<vmem>>, %arg2: memref<2000x128xf32, #tpu.memory_space<vmem>>, %arg3: memref<128x128xf32, #tpu.memory_space<vmem>>, %arg4: memref<128x128xf32, #tpu.memory_space<vmem>>, %arg5: memref<1x128xf32, #tpu.memory_space<vmem>>, %arg6: memref<2000x128xf32, #tpu.memory_space<vmem>>) attributes {dimension_semantics = [#tpu.dimension_semantics<arbitrary>], iteration_bounds = array<i64: 5>, scalar_prefetch = 0 : i64, scratch_operands = 0 : i64, tpu.core_type = #tpu.core_type<tc>, window_params = [{transform_indices = @transform_0, window_bounds = array<i64: 2, 2000, 128>}, {transform_indices = @transform_1, window_bounds = array<i64: 2000, 128>}, {pipeline_mode = #tpu.pipeline_mode<synchronous>, transform_indices = @transform_2, window_bounds = array<i64: 128, 128>}, {pipeline_mode = #tpu.pipeline_mode<synchronous>, transform_indices = @transform_3, window_bounds = array<i64: 128, 128>}, {pipeline_mode = #tpu.pipeline_mode<synchronous>, transform_indices = @transform_4, window_bounds = array<i64: 1, 128>}, {transform_indices = @transform_5, window_bounds = array<i64: 2000, 128>}]} {
    %get3A = arith.constant 0 : index
    %get3A_0 = arith.constant 0 : index
    %get3A_1 = arith.constant 0 : index
    %get3A_2 = vector.load %arg1[%get3A, %get3A_0, %get3A_1] : memref<2x2000x128xf32, #tpu.memory_space<vmem>>, vector<1x2000x128xf32>
    %get3A_3 = vector.shape_cast %get3A_2 : vector<1x2000x128xf32> to vector<2000x128xf32>
    %get3A_4 = arith.constant 1 : index
    %get3A_5 = arith.constant 0 : index
    %get3A_6 = arith.constant 0 : index
    %get3A_7 = vector.load %arg1[%get3A_4, %get3A_5, %get3A_6] : memref<2x2000x128xf32, #tpu.memory_space<vmem>>, vector<1x2000x128xf32>
    %get3A_8 = vector.shape_cast %get3A_7 : vector<1x2000x128xf32> to vector<2000x128xf32>
    %add3A = arith.addf %get3A_3, %get3A_8 : vector<2000x128xf32>
    %get3A_9 = arith.constant 0 : index
    %get3A_10 = arith.constant 0 : index
    %get3A_11 = vector.load %arg3[%get3A_9, %get3A_10] : memref<128x128xf32, #tpu.memory_space<vmem>>, vector<128x128xf32>
    %dot_general3A = arith.constant dense<0.000000e+00> : vector<2000x128xf32>
    %dot_general3A_12 = tpu.matmul %add3A, %get3A_11, %dot_general3A {dimension_numbers = #tpu.dot_dimension_numbers<[1], [0], [0], [1], [0, 0, 1, 1], [], []>, transpose_lhs_hint = false} : vector<2000x128xf32>, vector<128x128xf32>, vector<2000x128xf32> -> vector<2000x128xf32>
    %get3A_13 = arith.constant 0 : index
    %get3A_14 = arith.constant 0 : index
    %get3A_15 = vector.load %arg2[%get3A_13, %get3A_14] : memref<2000x128xf32, #tpu.memory_space<vmem>>, vector<2000x128xf32>
    %get3A_16 = arith.constant 0 : index
    %get3A_17 = arith.constant 0 : index
    %get3A_18 = vector.load %arg4[%get3A_16, %get3A_17] : memref<128x128xf32, #tpu.memory_space<vmem>>, vector<128x128xf32>
    %dot_general3A_19 = arith.constant dense<0.000000e+00> : vector<2000x128xf32>
    %dot_general3A_20 = tpu.matmul %get3A_15, %get3A_18, %dot_general3A_19 {dimension_numbers = #tpu.dot_dimension_numbers<[1], [0], [0], [1], [0, 0, 1, 1], [], []>, transpose_lhs_hint = false} : vector<2000x128xf32>, vector<128x128xf32>, vector<2000x128xf32> -> vector<2000x128xf32>
    %add3A_21 = arith.addf %dot_general3A_12, %dot_general3A_20 : vector<2000x128xf32>
    %get3A_22 = arith.constant 0 : index
    %get3A_23 = arith.constant 0 : index
    %get3A_24 = vector.load %arg5[%get3A_22, %get3A_23] : memref<1x128xf32, #tpu.memory_space<vmem>>, vector<1x128xf32>
    %add3A_25 = vector.broadcast %get3A_24 : vector<1x128xf32> to vector<2000x128xf32>
    %add3A_26 = arith.addf %add3A_21, %add3A_25 : vector<2000x128xf32>
    %swap3A = arith.constant 0 : index
    %swap3A_27 = arith.constant 0 : index
    %swap3A_28 = vector.load %arg6[%swap3A, %swap3A_27] : memref<2000x128xf32, #tpu.memory_space<vmem>>, vector<2000x128xf32>
    tpu.vector_store %arg6[%swap3A, %swap3A_27], %add3A_26 {strides = array<i32>} : memref<2000x128xf32, #tpu.memory_space<vmem>>, vector<2000x128xf32>,
    return
  }
  func.func @transform_0(%arg0: i32) -> (i32, i32, i32) {
    %c0_i32 = arith.constant 0 : i32
    %c0_i32_0 = arith.constant 0 : i32
    %c0_i32_1 = arith.constant 0 : i32
    return %c0_i32, %arg0, %c0_i32_0 : i32, i32, i32
  }
  func.func @transform_1(%arg0: i32) -> (i32, i32) {
    %c0_i32 = arith.constant 0 : i32
    %c0_i32_0 = arith.constant 0 : i32
    return %arg0, %c0_i32 : i32, i32
  }
  func.func @transform_2(%arg0: i32) -> (i32, i32) {
    %c0_i32 = arith.constant 0 : i32
    %c0_i32_0 = arith.constant 0 : i32
    %c0_i32_1 = arith.constant 0 : i32
    return %c0_i32, %c0_i32_0 : i32, i32
  }
  func.func @transform_3(%arg0: i32) -> (i32, i32) {
    %c0_i32 = arith.constant 0 : i32
    %c0_i32_0 = arith.constant 0 : i32
    %c0_i32_1 = arith.constant 0 : i32
    return %c0_i32, %c0_i32_0 : i32, i32
  }
  func.func @transform_4(%arg0: i32) -> (i32, i32) {
    %c0_i32 = arith.constant 0 : i32
    %c0_i32_0 = arith.constant 0 : i32
    %c0_i32_1 = arith.constant 0 : i32
    return %c0_i32, %c0_i32_0 : i32, i32
  }
  func.func @transform_5(%arg0: i32) -> (i32, i32) {
    %c0_i32 = arith.constant 0 : i32
    %c0_i32_0 = arith.constant 0 : i32
    return %arg0, %c0_i32 : i32, i32
  }
}

</mosaic_0001>

<sc_bundles>
// kernel: kernel.4.cloned.1.call-start
scs
__scs_entry_jumppad:
0x0: {  	(pc) =	sbr.rel $0x88, $3  }
0x1: {  	(tag) =	ssettag $0x0;
	lr =	simm.s32 $0x1  }
0x2: {  	[smem:$0x3F9C] =	sst lr;
	_ =	strace $0xD0000000  }
0x3: {  	_ = 	snop  }
0x4: {  	_ = 	snop  }
0x5: {  	_ = 	snop  }
0x6: {  	_ = 	snop  }
0x7: {  	_ = 	snop  }
__scs_overlays_trampoline_lowered:
0x8: {  	[smem:$0x3FAB] =	sst s0  }
0x9: {  	[smem:$0x3FAC] =	sst s1  }
0xa: {  	[smem:$0x3FAD] =	sst s2  }
0xb: {  	[smem:$0x3FAE] =	sst s3  }
0xc: {  	[smem:$0x3FAF] =	sst s4  }
0xd: {  	[smem:$0x3FB0] =	sst s5  }
0xe: {  	[smem:$0x3FB1] =	sst s6  }
0xf: {  	[smem:$0x3FB2] =	sst s7  }
0x10: {  	[smem:$0x3FB3] =	sst s8  }
0x11: {  	[smem:$0x3FB4] =	sst s9;
	s0 =	simm.s32 @!p0 $0x0  }
0x12: {  	s1 =	sld [smem:$0x3F9A];
	s0 =	simm.s32 @p0 $0x1  }
0x13: {  	[smem:$0x3FB5] =	sst s0;
	s0 =	simm.s32 @!p1 $0x0  }
0x14: {  	s2 =	sld [smem:$0x3F99];
	s0 =	simm.s32 @p1 $0x1  }
0x15: {  	[smem:$0x3FB6] =	sst s0;
	s0 =	simm.s32 @!p2 $0x0  }
0x16: {  	s3 =	sld [smem:$0x3FDB];
	s0 =	simm.s32 @p2 $0x1  }
0x17: {  	s4 =	simm.s32 $0x1BF5;
	[smem:$0x3FB8] =	sst s0  }
0x18: {  	s0 =	sld [smem:$0x3F9B];
	_ =	swait.ge [sflag:s4], $0x0  }
0x19: {  	s7 =	sld [smem:$0x3F9C]  }
0x1a: {  	s8 =	sadd.s32 $0xFFFFE003, lr  }
0x1b: {  	s9 =	sadd.s32 $0xFFFFFEF7, lr;
	s5 =	simm.s32 $0xFFFFFFFF;
	p2 =	slt.u32 s8, $0xFFFFF086  }
0x1c: {  	p1 =	slt.u32 s9, $0xF7A;
	s5 =	simm.s32 @!p2 $0x0  }
0x1d: {  	s5 =	simm.s32 @p1 $0x1;
	p0 =	seq.s32 s7, s2  }
0x1e: {  	s7 =	smul.u32 @!p0 $0xF7A, s2;
	p2 =	seq.s32 @!p0 s5, $0x0  }
0x1f: {  	s9 =	smul.u32 $0xF7A, s1;
	s8 =	simm.s32 @!p0 $0x1BF5;
	p2 =	por !p2, p0  }
0x20: {  	[sflag:s8] =	ssyncset.s32 @!p0 $0xFFFFF086;
	s6 =	sadd.s32 @!p0 s3, s7;
	s7 =	simm.s32 @!p0 $0x108  }
0x21: {  	s3 =	sadd.s32 s3, s9;
	s6 =	sadd.s32 @!p0 $0x88, s6;
	s7 =	simm.s32 @p2 $0x1082  }
0x22: {  	[simem:s7], [sflag:s8] =	dma.local @!p0 [hbm:s6], $0xF7A  }
0x23: {  	s9 =	sor.u32 $0xD0000000, s2;
	s6 =	simm.s32 $0x108;
	_ =	swait.ge @!p0 [sflag:s8], $0x0  }
0x24: {  	s3 =	sadd.s32 $0x88, s3;
	s6 =	simm.s32 @!p1 $0x1082;
	[sflag:s4] =	ssyncset.s32 $0xFFFFF086  }
0x25: {  	[simem:s6], [sflag:s4] =	dma.local [hbm:s3], $0xF7A  }
0x26: {  	[smem:$0x3F9C] =	sst s1;
	(tag) =	ssettag s2;
	_ =	strace s9  }
0x27: {  	s1 =	sld [smem:$0x3FAC]  }
0x28: {  	s2 =	sld [smem:$0x3FAD]  }
0x29: {  	s4 =	sld [smem:$0x3FAF]  }
0x2a: {  	p0 =	seq.s32 s5, $0x0;
	s5 =	sld [smem:$0x3FB0]  }
0x2b: {  	s6 =	sld [smem:$0x3FB1]  }
0x2c: {  	s7 =	sld [smem:$0x3FB2]  }
0x2d: {  	s3 =	simm.s32 $0x108;
	s8 =	sld [smem:$0x3FB3]  }
0x2e: {  	s3 =	simm.s32 @!p0 $0x1082;
	s9 =	sld [smem:$0x3FB4]  }
0x2f: {  	lr =	sadd.s32 s0, s3;
	s0 =	sld [smem:$0x3FAB]  }
0x30: {  	s3 =	sld [smem:$0x3FAE]  }
0x31: {  	[smem:$0x3FB7] =	sst s10  }
0x32: {  	s10 =	sld [smem:$0x3FB5];
	_ =	sdelay $0x3  }
0x33: {  	p0 =	seq.s32 s10, $0x1;
	s10 =	sld [smem:$0x3FB7];
	_ =	sdelay $0x3  }
0x34: {  	[smem:$0x3FB7] =	sst s10  }
0x35: {  	s10 =	sld [smem:$0x3FB6];
	_ =	sdelay $0x3  }
0x36: {  	p1 =	seq.s32 s10, $0x1;
	s10 =	sld [smem:$0x3FB7];
	_ =	sdelay $0x3  }
0x37: {  	[smem:$0x3FB7] =	sst s10  }
0x38: {  	s10 =	sld [smem:$0x3FB8]  }
0x39: {  	_ = 	snop;
	(pc) =	sbr.ind lr, $3  }
0x3a: {  	_ = 	snop  }
0x3b: {  	_ = 	snop  }
0x3c: {  	p2 =	seq.s32 s10, $0x1;
	s10 =	sld [smem:$0x3FB7]  }
0x3d: {  	_ =	shalt  }
0x3e: {  	_ =	shalt  }
0x3f: {  	_ =	shalt  }
0x40: {  	_ =	shalt  }
0x41: {  	_ =	shalt  }
0x42: {  	_ =	shalt  }
0x43: {  	_ =	shalt  }
0x44: {  	_ =	shalt  }
0x45: {  	_ =	shalt  }
0x46: {  	_ =	shalt  }
0x47: {  	_ =	shalt  }
0x48: {  	_ =	shalt  }
0x49: {  	_ =	shalt  }
0x4a: {  	_ =	shalt  }
0x4b: {  	_ =	shalt  }
0x4c: {  	_ =	shalt  }
0x4d: {  	_ =	shalt  }
0x4e: {  	_ =	shalt  }
0x4f: {  	_ =	shalt  }
0x50: {  	_ =	shalt  }
0x51: {  	_ =	shalt  }
0x52: {  	_ =	shalt  }
0x53: {  	_ =	shalt  }
0x54: {  	_ =	shalt  }
0x55: {  	_ =	shalt  }
0x56: {  	_ =	shalt  }
0x57: {  	_ =	shalt  }
0x58: {  	_ =	shalt  }
0x59: {  	_ =	shalt  }
0x5a: {  	_ =	shalt  }
0x5b: {  	_ =	shalt  }
0x5c: {  	_ =	shalt  }
0x5d: {  	_ =	shalt  }
0x5e: {  	_ =	shalt  }
0x5f: {  	_ =	shalt  }
0x60: {  	_ =	shalt  }
0x61: {  	_ =	shalt  }
0x62: {  	_ =	shalt  }
0x63: {  	_ =	shalt  }
0x64: {  	_ =	shalt  }
0x65: {  	_ =	shalt  }
0x66: {  	_ =	shalt  }
0x67: {  	_ =	shalt  }
0x68: {  	_ =	shalt  }
0x69: {  	_ =	shalt  }
0x6a: {  	_ =	shalt  }
0x6b: {  	_ =	shalt  }
0x6c: {  	_ =	shalt  }
0x6d: {  	_ =	shalt  }
0x6e: {  	_ =	shalt  }
0x6f: {  	_ =	shalt  }
0x70: {  	_ =	shalt  }
0x71: {  	_ =	shalt  }
0x72: {  	_ =	shalt  }
0x73: {  	_ =	shalt  }
0x74: {  	_ =	shalt  }
0x75: {  	_ =	shalt  }
0x76: {  	_ =	shalt  }
0x77: {  	_ =	shalt  }
0x78: {  	_ =	shalt  }
0x79: {  	_ =	shalt  }
0x7a: {  	_ =	shalt  }
0x7b: {  	_ =	shalt  }
0x7c: {  	_ =	shalt  }
0x7d: {  	_ =	shalt  }
0x7e: {  	_ =	shalt  }
0x7f: {  	_ =	shalt  }
0x80: {  	_ =	shalt  }
0x81: {  	_ =	shalt  }
0x82: {  	_ =	shalt  }
0x83: {  	_ =	shalt  }
0x84: {  	_ =	shalt  }
0x85: {  	_ =	shalt  }
0x86: {  	_ =	shalt  }
0x87: {  	_ =	shalt  }
.Lfunc_end0:
.L_simem_size_0:
called_computation_lowered:
.L_overlay_start_0:
0x88: {  	s2 =	sld [smem:$0x3FD9]  }
0x89: {  	s3 =	sld [smem:$0x3FFE];
	_ =	sdelay $0x1  }
0x8a: {  	s1 =	srdreg.scid  }
0x8b: {  	s0 =	sand.u32 $0x1, s1  }
0x8c: {  	s17 =	sshll.u32 s0, $0xA;
	s2 =	sadd.s32 s3, s2  }
0x8d: {  	s2 =	sadd.s32 s2, s17  }
0x8e: {  	[smem:$0x3FC3] =	sst s2  }
0x8f: {  	_ = 	snop  }
0x90: {  	s2 =	sld [smem:$0x3FC9]  }
0x91: {  	s18 =	sld [smem:$0x3FD0];
	(tm) =	ssettm $0x1  }
0x92: {  	s4 =	sld [smem:$0x3FFB];
	_ =	sdelay $0x3  }
0x93: {  	_ =	strace s4  }
0x94: {  	s4 =	sld [smem:$0x3FFC];
	_ =	sdelay $0x3  }
0x95: {  	_ =	strace s4  }
0x96: {  	s4 =	sld [smem:$0x3FFD];
	_ =	sdelay $0x3  }
0x97: {  	_ =	strace s4  }
0x98: {  	_ =	strace $0x8FFFFFFF  }
0x99: {  	s19 =	sld [smem:$0x3FDB];
	_ =	sdelay $0x1  }
0x9a: {  	s5 =	simm.s32 $_scs_section_size  }
0x9b: {  	s6 =	simm.s32 $_size__tile_overlayer_lowered;
	s7 =	simm.s32 $_tile_overlayer_lowered  }
0x9c: {  	s22 =	simm.s32 $0x1BFF;
	s21 =	sshll.u32 s7, $0x1;
	s4 =	sadd.s32 s5, s19  }
0x9d: {  	s8 =	simm.s32 $0x0;
	s20 =	sshll.u32 s6, $0x1;
	s6 =	sadd.s32 s21, s4  }
0x9e: {  	[timem:s8], [sflag:s22] =	dma.local [hbm:s6], s20  }
0x9f: {  	_ =	swait.ge [sflag:s22], s20  }
0xa0: {  	s5 =	ssub.s32 $0x0, s20;
	[sflag:s22] =	ssyncset.done $0x0  }
0xa1: {  	[sflag:s22] =	ssyncadd.s32 s5;
	_ =	sdelay $0x1  }
0xa2: {  	s23 =	simm.s32 $0x1B8B  }
0xa3: {  	_ =	swait.ge [sflag:s23], $0x1  }
0xa4: {  	[sflag:s23] =	ssyncset.done $0x0  }
0xa5: {  	s25 =	simm.s32 $0x1B8E;
	s24 =	sld [smem:$0x3FFE];
	[sflag:s23] =	ssyncadd.s32 $0xFFFFFFFF  }
0xa6: {  	s26 =	simm.s32 $execute0_lowered;
	[smem:$0x3FD2] =	sst s25  }
0xa7: {  	s6 =	sshll.u32 s26, $0x1;
	_ =	strace $0x80000046;
	[dreg:$0x1] =	wrdreg $0xFFFFFFFF  }
0xa8: {  	s28 =	simm.s32 $_size_execute0_lowered;
	s4 =	sadd.s32 s4, s6;
	[dreg:$0x0] =	wrdreg $0x0  }
0xa9: {  	s6 =	sshll.u32 s28, $0x1;
	[dreg:$0x2] =	wrdreg s4  }
0xaa: {  	[dreg:$0x3] =	wrdreg s6  }
0xab: {  	[dreg:$0x4] =	wrdreg $0xC0  }
0xac: {  	_ =	task [dreg:s8], $0x5FFFF  }
0xad: {  	[dreg:$0x1] =	wrdreg $0xFFFFFFFF  }
0xae: {  	[dreg:$0x0] =	wrdreg $0x60  }
0xaf: {  	[dreg:$0x2] =	wrdreg s2  }
0xb0: {  	[dreg:$0x3] =	wrdreg s24  }
0xb1: {  	[dreg:$0x4] =	wrdreg s18  }
0xb2: {  	[dreg:$0x5] =	wrdreg $0x0  }
0xb3: {  	[dreg:$0x6] =	wrdreg $0x9  }
0xb4: {  	_ =	task.clear_ibuf [dreg:s8], $0x7FFFF;
	_ =	strace $0x90000046  }
0xb5: {  	s29 =	simm.s32 $0x9;
	_ =	strace $0x80000048  }
0xb6: {  	_ =	swait.ge [sflag:s29], $0x1  }
0xb7: {  	[sflag:s29] =	ssyncadd.s32 $0xFFFFFFFF  }
0xb8: {  	_ =	strace $0x90000048  }
0xb9: {  	_ =	sfence  }
0xba: {  	s30 =	sld [smem:$0x0];
	_ =	sdelay $0x2  }
0xbb: {  	s31 =	sshll.u32 s1, $0xD;
	s1 =	sshrl.u32 s1, $0x2  }
0xbc: {  	s3 =	sand.u32 $0x4000, s31;
	s1 =	sadd.s32 s1, s30  }
0xbd: {  	s0 =	sor.u32 s3, s0;
	s1 =	sshll.u32 s1, $0x11  }
0xbe: {  	s0 =	sor.u32 s1, s0  }
0xbf: {  	s0 =	sadd.s32 $0x8F2B, s0  }
0xc0: {  	[sflag:s0] =	ssyncadd.remote.s32 $0x1  }
0xc1: {  	_ =	sfence.sel $0xFFFF  }
0xc2: {  	[dreg:$0x0] =	wrdreg $0xFFFFFFFF;
	(pc) =	sbr.abs _section_cstart, $3  }
0xc3: {  	[dreg:$0x1] =	wrdreg $0xFFFFFFFF  }
0xc4: {  	_ =	task.clear_ibuf [dreg:s8], $0x2FFFF;
	_ =	strace $0x9FFFFFFF  }
0xc5: {  	(tm) =	ssettm $0x7FFFFFFF  }
tec
execute0_lowered:
.L_overlay_start_1:
0x0: {  	(tag) =	ssettag $0x1  }
0x1: {  	s1 =	rddreg [dreg:$0x0]  }
0x2: {  	s0 =	rddreg [dreg:$0x1]  }
0x3: {  	s13 =	rddreg [dreg:$0x2]  }
0x4: {  	s4 =	rddreg [dreg:$0x3];
	s5 =	simm.s32 $0x0;
	s12 =	stileid.u32  }
0x5: {  	s2 =	srdreg.scid;
	s29 =	simm.s32 $0x13CC0;
	s31 =	simm.s32 $0x146C0  }
0x6: {  	s30 =	simm.s32 $0x15AC0;
	s28 =	simm.s32 $0x13;
	s3 =	smul.u32 $0x13800, s12  }
0x7: {  	[smem:$0x7FF] =	sst s5;
	s2 =	sand.u32 $0x1, s2;
	s8 =	smul.u32 $0x4E000, s12  }
0x8: {  	s14 =	sadd.s32 $0xC00, s0;
	s10 =	sadd.s32 $0x31C00, s0;
	s24 =	smul.u32 $0x2710, s12  }
0x9: {  	_ =	strace $0x80000047;
	s6 =	sshll.u32 s2, $0x4;
	s9 =	ssub.s32 $0x2, s2  }
0xa: {  	s20 =	smul.u32 $0x138800, s2;
	[dreg:$0x5] =	wrdreg s14;
	s7 =	sshrl.u32 s3, $0x3  }
0xb: {  	s6 =	sor.u32 s12, s6;
	s11 =	sshrl.u32 s9, $0x1;
	s8 =	sshrl.u32 s8, $0x2  }
0xc: {  	s7 =	sadd.s32 s7, s0;
	s6 =	smul.u32 $0x2710, s6;
	s8 =	sadd.s32 s8, s4  }
0xd: {  	s9 =	ssub.s32 s9, s11;
	s0 =	sadd.s32 $0x31A00, s0;
	[dreg:$0x6] =	wrdreg s8  }
0xe: {  	s3 =	sadd.s32 s3, s20;
	s7 =	sadd.s32 $0xAA00, s7;
	[dreg:$0x8] =	wrdreg s0  }
0xf: {  	s3 =	sshrl.u32 s3, $0x3;
	s11 =	sadd.s32 $0x28, s6;
	[dreg:$0x7] =	wrdreg s7  }
0x10: {  	s7 =	sshrl.u32 s6, $0x3;
	s3 =	sadd.s32 s10, s3;
	s8 =	sshrl.u32 s11, $0x3  }
0x11: {  	s18 =	sadd.s32 $0x78, s6;
	[dreg:$0x10] =	wrdreg s3;
	s15 =	sadd.s32 s14, s8  }
0x12: {  	s16 =	sadd.s32 $0xA, s7;
	s8 =	sadd.s32 s13, s8;
	[dreg:$0x9] =	wrdreg s15  }
0x13: {  	s26 =	sadd.s32 $0xC8, s6;
	s17 =	sadd.s32 s14, s16;
	[dreg:$0xa] =	wrdreg s8  }
0x14: {  	s19 =	sshrl.u32 s18, $0x3;
	s0 =	sadd.s32 s13, s16;
	[dreg:$0xb] =	wrdreg s17  }
0x15: {  	s22 =	sadd.s32 $0x14, s7;
	s21 =	sadd.s32 s14, s19;
	[dreg:$0xc] =	wrdreg s0  }
0x16: {  	s6 =	sadd.s32 $0x118, s6;
	s23 =	sadd.s32 s14, s22;
	[dreg:$0xd] =	wrdreg s21  }
0x17: {  	s16 =	sshrl.u32 s6, $0x3;
	s0 =	sadd.s32 s13, s19;
	[dreg:$0xf] =	wrdreg s23  }
0x18: {  	p0 =	sne.s32 s12, $0xF;
	s19 =	sadd.s32 s14, s16;
	[dreg:$0xe] =	wrdreg s0  }
0x19: {  	s8 =	sshrl.u32 s20, $0x3;
	s20 =	sadd.s32 s14, s7;
	[dreg:$0x16] =	wrdreg s19  }
0x1a: {  	s2 =	smul.u32 $0x27100, s2;
	s21 =	sadd.s32 s13, s7;
	[dreg:$0x18] =	wrdreg s20  }
0x1b: {  	s15 =	sadd.s32 $0x1E, s7;
	s0 =	sadd.s32 s13, s22;
	[dreg:$0x19] =	wrdreg s21  }
0x1c: {  	s2 =	sadd.s32 s24, s2;
	s17 =	sadd.s32 s14, s15;
	[dreg:$0x11] =	wrdreg s0  }
0x1d: {  	s25 =	sadd.s32 s10, s8;
	s18 =	sadd.s32 s13, s15;
	[dreg:$0x14] =	wrdreg s17  }
0x1e: {  	s10 =	sshrl.u32 s26, $0x3;
	s26 =	smax.u32 s9, $0x1;
	[dreg:$0x15] =	wrdreg s18  }
0x1f: {  	s24 =	sadd.s32 $0x370, s2;
	s8 =	sadd.s32 s14, s10;
	[dreg:$0x1d] =	wrdreg s26  }
0x20: {  	s22 =	sadd.s32 $0x28, s7;
	s0 =	sadd.s32 s13, s10;
	[dreg:$0x12] =	wrdreg s8  }
0x21: {  	s6 =	sadd.s32 $0x208, s2;
	s23 =	sadd.s32 s14, s22;
	[dreg:$0x13] =	wrdreg s0  }
0x22: {  	s15 =	sadd.s32 $0x2D0, s2;
	s3 =	sadd.s32 $0x27000, s25;
	[dreg:$0x1a] =	wrdreg s23  }
0x23: {  	s25 =	sadd.s32 $0x348, s2;
	s0 =	sadd.s32 s13, s16;
	[dreg:$0x1c] =	wrdreg s3  }
0x24: {  	s3 =	sshrl.u32 s25, $0x3;
	[dreg:$0x17] =	wrdreg s0;
	s0 =	sadd.s32 s13, s22  }
0x25: {  	s19 =	sadd.s32 $0x2A8, s2;
	s8 =	sadd.s32 s3, s13;
	[dreg:$0x1b] =	wrdreg s0  }
0x26: {  	s16 =	sshrl.u32 s15, $0x3;
	s3 =	sadd.s32 s3, s14;
	[smem:$0x7E2] =	sst s8  }
0x27: {  	s20 =	sshrl.u32 s19, $0x3;
	s18 =	sadd.s32 s16, s13;
	[smem:$0x7E3] =	sst s3  }
0x28: {  	s23 =	sadd.s32 $0x258, s2;
	s22 =	sadd.s32 s20, s13;
	[smem:$0x7E8] =	sst s18  }
0x29: {  	s0 =	sshrl.u32 s24, $0x3;
	[smem:$0x7EA] =	sst s22;
	s18 =	sadd.s32 $0x230, s2  }
0x2a: {  	s24 =	sshrl.u32 s23, $0x3;
	s23 =	sshll.u32 s12, $0x6;
	[smem:$0x7F4] =	sst s18  }
0x2b: {  	s10 =	sadd.s32 $0x2F8, s2;
	s7 =	sadd.s32 s0, s13;
	[smem:$0x7FB] =	sst s23  }
0x2c: {  	s3 =	sshrl.u32 s10, $0x3;
	s0 =	sadd.s32 s0, s14;
	[dreg:$0x1e] =	wrdreg s7  }
0x2d: {  	s9 =	sadd.s32 $0x320, s2;
	s17 =	sadd.s32 s3, s13;
	[dreg:$0x1f] =	wrdreg s0  }
0x2e: {  	s21 =	sadd.s32 $0x280, s2;
	s3 =	sadd.s32 s3, s14;
	[smem:$0x7E6] =	sst s17  }
0x2f: {  	s15 =	sadd.s32 $0x190, s2;
	s26 =	sadd.s32 s24, s13;
	[smem:$0x7E7] =	sst s3  }
0x30: {  	s0 =	sshrl.u32 s9, $0x3;
	[smem:$0x7EE] =	sst s26;
	s26 =	sadd.s32 $0x138000, s4  }
0x31: {  	s8 =	sadd.s32 $0x1E0, s2;
	s11 =	sadd.s32 s0, s13;
	[smem:$0x7FD] =	sst s26  }
0x32: {  	s3 =	sshrl.u32 s21, $0x3;
	s0 =	sadd.s32 s0, s14;
	[smem:$0x7E4] =	sst s11  }
0x33: {  	s10 =	sshrl.u32 s8, $0x3;
	s25 =	sadd.s32 s3, s13;
	[smem:$0x7E5] =	sst s0  }
0x34: {  	s7 =	sshrl.u32 s6, $0x3;
	s3 =	sadd.s32 s3, s14;
	[smem:$0x7EC] =	sst s25  }
0x35: {  	s17 =	sshrl.u32 s15, $0x3;
	s9 =	sadd.s32 s7, s13;
	[smem:$0x7ED] =	sst s3  }
0x36: {  	s8 =	simm.s32 $0x28;
	s21 =	sadd.s32 s17, s13;
	[smem:$0x7F0] =	sst s9  }
0x37: {  	s22 =	sadd.s32 s17, s14;
	s17 =	simm.s32 $0x142C0;
	[smem:$0x7F7] =	sst s21  }
0x38: {  	s0 =	sadd.s32 s16, s14;
	s3 =	sadd.s32 s10, s13;
	[smem:$0x7F8] =	sst s22  }
0x39: {  	s11 =	sadd.s32 $0x1B8, s2;
	s2 =	sadd.s32 $0x168, s2;
	[smem:$0x7E9] =	sst s0  }
0x3a: {  	s25 =	sor.u32 $0x1C1D, s23;
	s23 =	simm.s32 $0x11;
	[smem:$0x7F2] =	sst s3  }
0x3b: {  	s0 =	sadd.s32 s20, s14;
	s16 =	sshrl.u32 s11, $0x3;
	[smem:$0x7FC] =	sst s25  }
0x3c: {  	s20 =	sshrl.u32 s2, $0x3;
	[smem:$0x7EB] =	sst s0;
	s0 =	sadd.s32 s24, s14  }
0x3d: {  	s25 =	simm.s32 $0x16;
	s19 =	sadd.s32 s16, s13;
	[smem:$0x7EF] =	sst s0  }
0x3e: {  	s24 =	sadd.s32 s20, s13;
	s0 =	sadd.s32 s7, s14;
	[smem:$0x7F5] =	sst s19  }
.Ltmp0:
0x3f: {  	[smem:$0x7F9] =	sst s24;
	s24 =	simm.s32 $0x14340;
	(pc) =	sbr.rel .LBB2_1-.Ltmp0, $4  }
0x40: {  	s19 =	simm.s32 $0x1BEC0;
	[smem:$0x7F1] =	sst s0;
	s0 =	sadd.s32 s10, s14  }
0x41: {  	s7 =	simm.s32 $0x18;
	[smem:$0x7F3] =	sst s0;
	s0 =	sadd.s32 s16, s14  }
0x42: {  	s16 =	simm.s32 $0x13BC0;
	[smem:$0x7F6] =	sst s0;
	s0 =	sadd.s32 s20, s14  }
0x43: {  	s20 =	simm.s32 $0x13C40;
	[smem:$0x7FA] =	sst s0;
	s0 =	simm.s32 $0x0  }
.LBB2_4:
0x44: {  	s0 =	simm.s32 $0x19  }
0x45: {  	_ =	swait.ge [sflag:s0], $0x1400  }
0x46: {  	[sflag:s0] =	ssyncset.done $0x0  }
0x47: {  	s20 =	simm.s32 $0x1A;
	[sflag:s0] =	ssyncadd.s32 $0xFFFFEC00  }
0x48: {  	_ =	swait.ge [sflag:s20], $0x1400  }
0x49: {  	[sflag:s20] =	ssyncset.done $0x0  }
0x4a: {  	[sflag:s20] =	ssyncadd.s32 $0xFFFFEC00  }
0x4b: {  	[bflag:$0x0] =	sbarrier.arrive $0xFFFF  }
0x4c: {  	s3 =	sld [smem:$0x7FB]  }
0x4d: {  	s21 =	sld [smem:$0x7E0];
	_ =	sdelay $0x1  }
0x4e: {  	s22 =	simm.s32 $0x1E;
	s6 =	rddreg [dreg:$0x10];
	s3 =	sor.u32 $0x1C1E, s3  }
0x4f: {  	[hbm:s6], [sflag:s3] =	dma.local [spmem:s21], $0x2700  }
0x50: {  	_ =	swait.ge [sflag:s22], $0x2700  }
0x51: {  	s0 =	sld [smem:$0x7E1]  }
0x52: {  	[sflag:s22] =	ssyncset.done $0x0  }
0x53: {  	s6 =	rddreg [dreg:$0x1c];
	[sflag:s22] =	ssyncadd.s32 $0xFFFFD900  }
0x54: {  	[hbm:s6], [sflag:s3] =	dma.local @!p0 [spmem:s0], $0x100  }
0x55: {  	s3 =	simm.s32 @!p0 $0x1E  }
0x56: {  	_ =	swait.ge @!p0 [sflag:s3], $0x100  }
0x57: {  	s24 =	sld [smem:$0x7DF];
	_ =	sdelay $0x2  }
0x58: {  	s26 =	rddreg [dreg:$0x1d];
	s0 =	sadd.s32 $0x1, s24  }
0x59: {  	p1 =	sne.s32 s0, s26  }
.Ltmp1:
0x5a: {  	_ = 	snop;
	(pc) =	sbr.rel @!p1 .LBB2_5-.Ltmp1, $4  }
0x5b: {  	_ = 	snop  }
0x5c: {  	s16 =	simm.s32 $0x13BC0;
	s17 =	simm.s32 $0x142C0  }
0x5d: {  	s29 =	simm.s32 $0x13CC0;
	s19 =	simm.s32 $0x1BEC0;
	[sflag:s3] =	ssyncset.done @!p0 $0x0  }
0x5e: {  	s20 =	simm.s32 $0x13C40;
	[sflag:s3] =	ssyncadd.s32 @!p0 $0xFFFFFF00;
	s24 =	simm.s32 $0x14340  }
.LBB2_1:
0x5f: {  	[smem:$0x7DF] =	sst s0  }
0x60: {  	s3 =	rddreg [dreg:$0x6]  }
0x61: {  	s6 =	sld [smem:$0x7FC]  }
0x62: {  	s11 =	rddreg [dreg:$0x7];
	s10 =	sshrl.u32 s3, $0x3  }
0x63: {  	[smem:$0x7E0] =	sst s10  }
0x64: {  	[spmem:s10], [sflag:s6] =	dma.local [hbm:s11], $0x2700  }
0x65: {  	s3 =	sld [smem:$0x7FD];
	_ =	sdelay $0x2  }
0x66: {  	s6 =	rddreg [dreg:$0x8];
	s0 =	sshrl.u32 @!p0 s3, $0x3  }
0x67: {  	s3 =	simm.s32 @!p0 $0x1FDE;
	[smem:$0x7E1] =	sst s0  }
0x68: {  	[spmem:s0], [sflag:s3] =	dma.local @!p0 [hbm:s6], $0x180  }
0x69: {  	s3 =	simm.s32 @!p0 $0x1E  }
0x6a: {  	_ =	swait.ge @!p0 [sflag:s3], $0x180  }
0x6b: {  	[sflag:s3] =	ssyncset.done @!p0 $0x0  }
0x6c: {  	s6 =	simm.s32 $0x138C0;
	s12 =	rddreg [dreg:$0x18];
	[sflag:s3] =	ssyncadd.s32 @!p0 $0xFFFFFE80  }
0x6d: {  	[tilespmem:s6], [sflag:$0x1] =	stream.linear.gather [hbm4b:s12+s5], $0x28, $0x38;
	[tilespmem:$0x1D2C0] =	vst v63  }
0x6e: {  	s11 =	simm.s32 $0x13FC0;
	s13 =	rddreg [dreg:$0x19]  }
0x6f: {  	[tilespmem:s11], [sflag:$0x1] =	stream.linear.gather [hbm4b:s13+s5], $0x28, $0x38;
	[tilespmem:$0x1D2C0] =	vst v63  }
0x70: {  	s14 =	rddreg [dreg:$0x9];
	s11 =	simm.s32 $0x13940  }
0x71: {  	[tilespmem:s11], [sflag:$0x2] =	stream.linear.gather [hbm4b:s14+s5], $0x28, $0x38;
	[tilespmem:$0x1D2C0] =	vst v63  }
0x72: {  	s15 =	rddreg [dreg:$0xa];
	s12 =	simm.s32 $0x14040  }
0x73: {  	[tilespmem:s12], [sflag:$0x2] =	stream.linear.gather [hbm4b:s15+s5], $0x28, $0x38;
	[tilespmem:$0x1D2C0] =	vst v63  }
0x74: {  	s18 =	rddreg [dreg:$0xb];
	s12 =	simm.s32 $0x139C0  }
0x75: {  	[tilespmem:s12], [sflag:$0x3] =	stream.linear.gather [hbm4b:s18+s5], $0x28, $0x38;
	[tilespmem:$0x1D2C0] =	vst v63  }
0x76: {  	s21 =	rddreg [dreg:$0xc];
	s13 =	simm.s32 $0x140C0  }
0x77: {  	[tilespmem:s13], [sflag:$0x3] =	stream.linear.gather [hbm4b:s21+s5], $0x28, $0x38;
	[tilespmem:$0x1D2C0] =	vst v63  }
0x78: {  	s22 =	rddreg [dreg:$0xd];
	s13 =	simm.s32 $0x13A40  }
0x79: {  	[tilespmem:s13], [sflag:$0x4] =	stream.linear.gather [hbm4b:s22+s5], $0x28, $0x38;
	[tilespmem:$0x1D2C0] =	vst v63  }
0x7a: {  	s26 =	rddreg [dreg:$0xe];
	s14 =	simm.s32 $0x14140  }
0x7b: {  	[tilespmem:s14], [sflag:$0x4] =	stream.linear.gather [hbm4b:s26+s5], $0x28, $0x38;
	[tilespmem:$0x1D2C0] =	vst v63  }
0x7c: {  	s0 =	rddreg [dreg:$0xf];
	s14 =	simm.s32 $0x13AC0  }
0x7d: {  	[tilespmem:s14], [sflag:$0x5] =	stream.linear.gather [hbm4b:s0+s5], $0x28, $0x38;
	[tilespmem:$0x1D2C0] =	vst v63  }
0x7e: {  	s2 =	rddreg [dreg:$0x11];
	s15 =	simm.s32 $0x141C0  }
0x7f: {  	[tilespmem:s15], [sflag:$0x5] =	stream.linear.gather [hbm4b:s2+s5], $0x28, $0x38;
	[tilespmem:$0x1D2C0] =	vst v63  }
0x80: {  	s10 =	simm.s32 $0x13B40;
	s9 =	rddreg [dreg:$0x12]  }
0x81: {  	[tilespmem:s10], [sflag:$0x6] =	stream.linear.gather [hbm4b:s9+s5], $0x28, $0x38;
	[tilespmem:$0x1D2C0] =	vst v63  }
0x82: {  	s18 =	simm.s32 $0x14240;
	s15 =	rddreg [dreg:$0x13]  }
0x83: {  	[tilespmem:s18], [sflag:$0x6] =	stream.linear.gather [hbm4b:s15+s5], $0x28, $0x38;
	[tilespmem:$0x1D2C0] =	vst v63  }
0x84: {  	s21 =	rddreg [dreg:$0x14]  }
0x85: {  	[tilespmem:s16], [sflag:$0x7] =	stream.linear.gather [hbm4b:s21+s5], $0x28, $0x38;
	[tilespmem:$0x1D2C0] =	vst v63  }
0x86: {  	s22 =	rddreg [dreg:$0x15]  }
0x87: {  	[tilespmem:s17], [sflag:$0x7] =	stream.linear.gather [hbm4b:s22+s5], $0x28, $0x38;
	[tilespmem:$0x1D2C0] =	vst v63  }
0x88: {  	s26 =	rddreg [dreg:$0x16]  }
0x89: {  	[tilespmem:s20], [sflag:$0x8] =	stream.linear.gather [hbm4b:s26+s5], $0x28, $0x38;
	[tilespmem:$0x1D2C0] =	vst v63  }
0x8a: {  	s0 =	rddreg [dreg:$0x17]  }
0x8b: {  	[tilespmem:s24], [sflag:$0x8] =	stream.linear.gather [hbm4b:s0+s5], $0x28, $0x38;
	[tilespmem:$0x1D2C0] =	vst v63  }
0x8c: {  	s2 =	rddreg [dreg:$0x1a]  }
0x8d: {  	[tilespmem:s29], [sflag:$0x9] =	stream.linear.gather [hbm4b:s2+s5], $0x28, $0x38;
	[tilespmem:$0x1D2C0] =	vst v63  }
0x8e: {  	s9 =	rddreg [dreg:$0x1b];
	s10 =	simm.s32 $0x143C0;
	s18 =	simm.s32 $0x1  }
0x8f: {  	[tilespmem:s10], [sflag:$0x9] =	stream.linear.gather [hbm4b:s9+s5], $0x28, $0x38;
	[tilespmem:$0x1D2C0] =	vst v63  }
0x90: {  	_ =	swait.ge [sflag:s18], $0x28  }
0x91: {  	[sflag:s18] =	ssyncset.done $0x0  }
0x92: {  	[sflag:s18] =	ssyncadd.s32 $0xFFFFFFD8  }
0x93: {  	_ =	swait.ge [sflag:s18], $0x28  }
0x94: {  	[sflag:s18] =	ssyncset.done $0x0  }
0x95: {  	s21 =	simm.s32 $0x2;
	[sflag:s18] =	ssyncadd.s32 $0xFFFFFFD8  }
0x96: {  	[tilespmem:s31], [sflag:$0xF] =	stream.indirect.gather [hbm4b:s1+s8], $0x80, s6, s8, $0xb8;
	[tilespmem:$0x1D2C0] =	vst v63  }
0x97: {  	_ =	swait.ge [sflag:s21], $0x28  }
0x98: {  	[sflag:s21] =	ssyncset.done $0x0  }
0x99: {  	[sflag:s21] =	ssyncadd.s32 $0xFFFFFFD8  }
0x9a: {  	_ =	swait.ge [sflag:s21], $0x28  }
0x9b: {  	[sflag:s21] =	ssyncset.done $0x0  }
0x9c: {  	s22 =	simm.s32 $0x3;
	[sflag:s21] =	ssyncadd.s32 $0xFFFFFFD8  }
0x9d: {  	[tilespmem:s30], [sflag:$0x10] =	stream.indirect.gather [hbm4b:s1+s8], $0x80, s11, s8, $0xb8;
	[tilespmem:$0x1D2C0] =	vst v63  }
0x9e: {  	_ =	swait.ge [sflag:s22], $0x28  }
0x9f: {  	[sflag:s22] =	ssyncset.done $0x0  }
0xa0: {  	[sflag:s22] =	ssyncadd.s32 $0xFFFFFFD8  }
0xa1: {  	_ =	swait.ge [sflag:s22], $0x28  }
0xa2: {  	[sflag:s22] =	ssyncset.done $0x0  }
0xa3: {  	s26 =	simm.s32 $0x4;
	s0 =	simm.s32 $0x16EC0;
	[sflag:s22] =	ssyncadd.s32 $0xFFFFFFD8  }
0xa4: {  	[tilespmem:s0], [sflag:$0x11] =	stream.indirect.gather [hbm4b:s1+s8], $0x80, s12, s8, $0xb8;
	[tilespmem:$0x1D2C0] =	vst v63  }
0xa5: {  	_ =	swait.ge [sflag:s26], $0x28  }
0xa6: {  	[sflag:s26] =	ssyncset.done $0x0  }
0xa7: {  	[sflag:s26] =	ssyncadd.s32 $0xFFFFFFD8  }
0xa8: {  	_ =	swait.ge [sflag:s26], $0x28  }
0xa9: {  	[sflag:s26] =	ssyncset.done $0x0  }
0xaa: {  	s2 =	simm.s32 $0x182C0;
	s30 =	simm.s32 $0x5;
	[sflag:s26] =	ssyncadd.s32 $0xFFFFFFD8  }
0xab: {  	[tilespmem:s2], [sflag:$0x12] =	stream.indirect.gather [hbm4b:s1+s8], $0x80, s13, s8, $0xb8;
	[tilespmem:$0x1D2C0] =	vst v63  }
0xac: {  	_ =	swait.ge [sflag:s30], $0x28  }
0xad: {  	[sflag:s30] =	ssyncset.done $0x0  }
0xae: {  	[sflag:s30] =	ssyncadd.s32 $0xFFFFFFD8  }
0xaf: {  	_ =	swait.ge [sflag:s30], $0x28  }
0xb0: {  	[sflag:s30] =	ssyncset.done $0x0  }
0xb1: {  	s31 =	simm.s32 $0x1D;
	s13 =	simm.s32 $0x196C0;
	[sflag:s30] =	ssyncadd.s32 $0xFFFFFFD8  }
0xb2: {  	[tilespmem:s13], [sflag:$0x13] =	stream.indirect.gather [hbm4b:s1+s8], $0x80, s14, s8, $0xb8;
	[tilespmem:$0x1D2C0] =	vst v63  }
0xb3: {  	_ =	swait.ge [sflag:s31], $0x2700  }
0xb4: {  	[sflag:s31] =	ssyncset.done $0x0  }
0xb5: {  	[sflag:s31] =	ssyncadd.s32 $0xFFFFD900  }
0xb6: {  	s10 =	simm.s32 $0x1AAC0;
	s6 =	simm.s32 $0xFFFFFFFE;
	[bflag:$0x0] =	sbarrier.arrive $0xFFFF  }
0xb7: {  	s22 =	simm.s32 $0x0;
	s2 =	simm.s32 $0x182C0;
	s26 =	sld [smem:$0x7F4]  }
.LBB2_2:
0xb8: {  	s18 =	simm.s32 $0xF  }
0xb9: {  	_ =	swait.ge [sflag:s18], $0x1400  }
0xba: {  	s3 =	simm.s32 $0x13FC0;
	[sflag:s18] =	ssyncset.done $0x0  }
0xbb: {  	s15 =	simm.s32 $0x146C0;
	p1 =	sgt.u32 s6, $0xF9;
	[sflag:s18] =	ssyncadd.s32 $0xFFFFEC00  }
0xbc: {  	[spmem:s4] =	stream.indirect.scatter.add.f32 [tilespmem:s15], [sflag:$0x16], $0x80, s3, s8, $0xb8;
	[tilespmem:$0x1D2C0] =	vst v63  }
0xbd: {  	s3 =	simm.s32 @!p1 $0x1B  }
0xbe: {  	_ =	swait.ge @!p1 [sflag:s3], $0x1400  }
0xbf: {  	s14 =	sld [smem:$0x7FA];
	_ =	sdelay $0x1  }
0xc0: {  	s21 =	smov.u32 s6;
	[sflag:s3] =	ssyncset.done @!p1 $0x0;
	s6 =	sld [smem:$0x7F9]  }
0xc1: {  	[sflag:s3] =	ssyncadd.s32 @!p1 $0xFFFFEC00;
	s3 =	sadd.s32 s22, s14;
	s14 =	simm.s32 $0x13D40  }
0xc2: {  	[tilespmem:s14], [sflag:$0xA] =	stream.linear.gather [hbm4b:s3+s5], $0x28, $0x38;
	[tilespmem:$0x1D2C0] =	vst v63  }
0xc3: {  	s9 =	simm.s32 $0x14440;
	s11 =	simm.s32 $0x6;
	s3 =	sadd.s32 s22, s6  }
0xc4: {  	[tilespmem:s9], [sflag:$0xA] =	stream.linear.gather [hbm4b:s3+s5], $0x28, $0x38;
	[tilespmem:$0x1D2C0] =	vst v63  }
0xc5: {  	_ =	swait.ge [sflag:s11], $0x28  }
0xc6: {  	[sflag:s11] =	ssyncset.done $0x0  }
0xc7: {  	[sflag:s11] =	ssyncadd.s32 $0xFFFFFFD8  }
0xc8: {  	_ =	swait.ge [sflag:s11], $0x28  }
0xc9: {  	[sflag:s11] =	ssyncset.done $0x0  }
0xca: {  	s12 =	simm.s32 $0x13B40;
	s6 =	simm.s32 $0x10;
	[sflag:s11] =	ssyncadd.s32 $0xFFFFFFD8  }
0xcb: {  	[tilespmem:s10], [sflag:$0x14] =	stream.indirect.gather [hbm4b:s1+s8], $0x80, s12, s8, $0xb8;
	[tilespmem:$0x1D2C0] =	vst v63  }
0xcc: {  	_ =	swait.ge [sflag:s6], $0x1400  }
0xcd: {  	s9 =	simm.s32 $0x14040;
	[sflag:s6] =	ssyncset.done $0x0  }
0xce: {  	s3 =	simm.s32 @!p1 $0x1C;
	s12 =	simm.s32 $0x15AC0;
	[sflag:s6] =	ssyncadd.s32 $0xFFFFEC00  }
0xcf: {  	[spmem:s4] =	stream.indirect.scatter.add.f32 [tilespmem:s12], [sflag:$0x17], $0x80, s9, s8, $0xb8;
	[tilespmem:$0x1D2C0] =	vst v63  }
0xd0: {  	_ =	swait.ge @!p1 [sflag:s3], $0x1400  }
0xd1: {  	s11 =	sld [smem:$0x7F8];
	_ =	sdelay $0x1  }
0xd2: {  	[sflag:s3] =	ssyncset.done @!p1 $0x0;
	s6 =	sld [smem:$0x7F7]  }
0xd3: {  	s31 =	simm.s32 $0x13DC0;
	[sflag:s3] =	ssyncadd.s32 @!p1 $0xFFFFEC00;
	s3 =	sadd.s32 s22, s11  }
0xd4: {  	[tilespmem:s31], [sflag:$0xB] =	stream.linear.gather [hbm4b:s3+s5], $0x28, $0x38;
	[tilespmem:$0x1D2C0] =	vst v63  }
0xd5: {  	s9 =	simm.s32 $0x144C0;
	s11 =	simm.s32 $0x7;
	s3 =	sadd.s32 s22, s6  }
0xd6: {  	[tilespmem:s9], [sflag:$0xB] =	stream.linear.gather [hbm4b:s3+s5], $0x28, $0x38;
	[tilespmem:$0x1D2C0] =	vst v63  }
0xd7: {  	_ =	swait.ge [sflag:s11], $0x28  }
0xd8: {  	[sflag:s11] =	ssyncset.done $0x0  }
0xd9: {  	[sflag:s11] =	ssyncadd.s32 $0xFFFFFFD8  }
0xda: {  	_ =	swait.ge [sflag:s11], $0x28  }
0xdb: {  	[sflag:s11] =	ssyncset.done $0x0  }
0xdc: {  	[sflag:s11] =	ssyncadd.s32 $0xFFFFFFD8  }
0xdd: {  	[tilespmem:s19], [sflag:$0x15] =	stream.indirect.gather [hbm4b:s1+s8], $0x80, s16, s8, $0xb8;
	[tilespmem:$0x1D2C0] =	vst v63  }
0xde: {  	_ =	swait.ge [sflag:s23], $0x1400  }
0xdf: {  	[sflag:s23] =	ssyncset.done $0x0  }
0xe0: {  	s6 =	simm.s32 $0x140C0;
	[sflag:s23] =	ssyncadd.s32 $0xFFFFEC00  }
0xe1: {  	[spmem:s4] =	stream.indirect.scatter.add.f32 [tilespmem:s0], [sflag:$0x18], $0x80, s6, s8, $0xb8;
	[tilespmem:$0x1D2C0] =	vst v63  }
0xe2: {  	_ =	swait.ge [sflag:s25], $0x1400  }
0xe3: {  	s9 =	sld [smem:$0x7F6];
	_ =	sdelay $0x1  }
0xe4: {  	[sflag:s25] =	ssyncset.done $0x0;
	s11 =	sld [smem:$0x7F5]  }
0xe5: {  	[sflag:s25] =	ssyncadd.s32 $0xFFFFEC00;
	s3 =	sadd.s32 s22, s9;
	s9 =	simm.s32 $0x13E40  }
0xe6: {  	[tilespmem:s9], [sflag:$0xC] =	stream.linear.gather [hbm4b:s3+s5], $0x28, $0x38;
	[tilespmem:$0x1D2C0] =	vst v63  }
0xe7: {  	s16 =	simm.s32 $0x14540;
	s19 =	simm.s32 $0x8;
	s3 =	sadd.s32 s22, s11  }
0xe8: {  	[tilespmem:s16], [sflag:$0xC] =	stream.linear.gather [hbm4b:s3+s5], $0x28, $0x38;
	[tilespmem:$0x1D2C0] =	vst v63  }
0xe9: {  	_ =	swait.ge [sflag:s19], $0x28  }
0xea: {  	[sflag:s19] =	ssyncset.done $0x0  }
0xeb: {  	[sflag:s19] =	ssyncadd.s32 $0xFFFFFFD8  }
0xec: {  	_ =	swait.ge [sflag:s19], $0x28  }
0xed: {  	[sflag:s19] =	ssyncset.done $0x0  }
0xee: {  	[sflag:s19] =	ssyncadd.s32 $0xFFFFFFD8  }
0xef: {  	[tilespmem:s15], [sflag:$0xF] =	stream.indirect.gather [hbm4b:s1+s8], $0x80, s20, s8, $0xb8;
	[tilespmem:$0x1D2C0] =	vst v63  }
0xf0: {  	s20 =	simm.s32 $0x12  }
0xf1: {  	_ =	swait.ge [sflag:s20], $0x1400  }
0xf2: {  	[sflag:s20] =	ssyncset.done $0x0  }
0xf3: {  	s0 =	simm.s32 $0x14140;
	s6 =	simm.s32 $0x17;
	[sflag:s20] =	ssyncadd.s32 $0xFFFFEC00  }
0xf4: {  	[spmem:s4] =	stream.indirect.scatter.add.f32 [tilespmem:s2], [sflag:$0x19], $0x80, s0, s8, $0xb8;
	[tilespmem:$0x1D2C0] =	vst v63  }
0xf5: {  	_ =	swait.ge [sflag:s6], $0x1400  }
0xf6: {  	s3 =	sld [smem:$0x7F3]  }
0xf7: {  	p1 =	seq.s32 s22, $0x4A6  }
0xf8: {  	s16 =	simm.s32 @!p1 $0x13EC0;
	[sflag:s6] =	ssyncset.done $0x0  }
0xf9: {  	[sflag:s6] =	ssyncadd.s32 $0xFFFFEC00;
	s6 =	sadd.s32 @!p1 s22, s3;
	s3 =	simm.s32 @!p1 $0x0  }
0xfa: {  	[tilespmem:s16], [sflag:$0xD] =	stream.linear.gather @!p1 [hbm4b:s6+s3], $0x28, $0x38;
	[tilespmem:$0x1D2C0] =	vst v63  }
0xfb: {  	s6 =	sld [smem:$0x7F2];
	_ =	sdelay $0x2  }
0xfc: {  	s11 =	simm.s32 @!p1 $0x145C0;
	s6 =	sadd.s32 @!p1 s22, s6  }
0xfd: {  	[tilespmem:s11], [sflag:$0xD] =	stream.linear.gather @!p1 [hbm4b:s6+s3], $0x28, $0x38;
	[tilespmem:$0x1D2C0] =	vst v63  }
0xfe: {  	s11 =	simm.s32 $0x9  }
0xff: {  	_ =	swait.ge [sflag:s11], $0x28  }
0x100: {  	[sflag:s11] =	ssyncset.done $0x0  }
0x101: {  	[sflag:s11] =	ssyncadd.s32 $0xFFFFFFD8  }
0x102: {  	_ =	swait.ge [sflag:s11], $0x28  }
0x103: {  	[sflag:s11] =	ssyncset.done $0x0  }
0x104: {  	[sflag:s11] =	ssyncadd.s32 $0xFFFFFFD8  }
0x105: {  	[tilespmem:s12], [sflag:$0x10] =	stream.indirect.gather [hbm4b:s1+s8], $0x80, s29, s8, $0xb8;
	[tilespmem:$0x1D2C0] =	vst v63  }
0x106: {  	_ =	swait.ge [sflag:s28], $0x1400  }
0x107: {  	[sflag:s28] =	ssyncset.done $0x0  }
0x108: {  	s12 =	simm.s32 $0x141C0;
	[sflag:s28] =	ssyncadd.s32 $0xFFFFEC00  }
0x109: {  	[spmem:s4] =	stream.indirect.scatter.add.f32 [tilespmem:s13], [sflag:$0x1A], $0x80, s12, s8, $0xb8;
	[tilespmem:$0x1D2C0] =	vst v63  }
0x10a: {  	_ =	swait.ge [sflag:s7], $0x1400  }
0x10b: {  	s6 =	sld [smem:$0x7F1];
	_ =	sdelay $0x1  }
0x10c: {  	[sflag:s7] =	ssyncset.done $0x0  }
0x10d: {  	s12 =	simm.s32 @!p1 $0x13F40;
	[sflag:s7] =	ssyncadd.s32 $0xFFFFEC00;
	s6 =	sadd.s32 @!p1 s22, s6  }
0x10e: {  	[tilespmem:s12], [sflag:$0xE] =	stream.linear.gather @!p1 [hbm4b:s6+s3], $0x28, $0x38;
	[tilespmem:$0x1D2C0] =	vst v63  }
0x10f: {  	s6 =	sld [smem:$0x7F0];
	_ =	sdelay $0x2  }
0x110: {  	s11 =	simm.s32 @!p1 $0x14640;
	s6 =	sadd.s32 @!p1 s22, s6  }
0x111: {  	[tilespmem:s11], [sflag:$0xE] =	stream.linear.gather @!p1 [hbm4b:s6+s3], $0x28, $0x38;
	[tilespmem:$0x1D2C0] =	vst v63  }
0x112: {  	s11 =	simm.s32 $0xA  }
0x113: {  	_ =	swait.ge [sflag:s11], $0x28  }
0x114: {  	[sflag:s11] =	ssyncset.done $0x0  }
0x115: {  	[sflag:s11] =	ssyncadd.s32 $0xFFFFFFD8  }
0x116: {  	_ =	swait.ge [sflag:s11], $0x28  }
0x117: {  	[sflag:s11] =	ssyncset.done $0x0  }
0x118: {  	s0 =	simm.s32 $0x16EC0;
	s13 =	simm.s32 $0x14;
	[sflag:s11] =	ssyncadd.s32 $0xFFFFFFD8  }
0x119: {  	[tilespmem:s0], [sflag:$0x11] =	stream.indirect.gather [hbm4b:s1+s8], $0x80, s14, s8, $0xb8;
	[tilespmem:$0x1D2C0] =	vst v63  }
0x11a: {  	_ =	swait.ge [sflag:s13], $0x1400  }
0x11b: {  	[sflag:s13] =	ssyncset.done $0x0  }
0x11c: {  	s11 =	simm.s32 $0x19;
	s14 =	simm.s32 $0x14240;
	[sflag:s13] =	ssyncadd.s32 $0xFFFFEC00  }
0x11d: {  	[spmem:s4] =	stream.indirect.scatter.add.f32 [tilespmem:s10], [sflag:$0x1B], $0x80, s14, s8, $0xb8;
	[tilespmem:$0x1D2C0] =	vst v63  }
0x11e: {  	_ =	swait.ge [sflag:s11], $0x1400  }
0x11f: {  	[sflag:s11] =	ssyncset.done $0x0  }
0x120: {  	s6 =	sshrl.u32 @!p1 s26, $0x3;
	[sflag:s11] =	ssyncadd.s32 $0xFFFFEC00;
	s11 =	rddreg [dreg:$0x5]  }
0x121: {  	s14 =	simm.s32 @!p1 $0x138C0;
	s11 =	sadd.s32 @!p1 s11, s6  }
0x122: {  	[tilespmem:s14], [sflag:$0x1] =	stream.linear.gather @!p1 [hbm4b:s11+s3], $0x28, $0x38;
	[tilespmem:$0x1D2C0] =	vst v63  }
0x123: {  	s11 =	rddreg [dreg:$0x2]  }
0x124: {  	s13 =	simm.s32 $0xB;
	s6 =	sadd.s32 @!p1 s11, s6;
	s11 =	simm.s32 @!p1 $0x13FC0  }
0x125: {  	[tilespmem:s11], [sflag:$0x1] =	stream.linear.gather @!p1 [hbm4b:s6+s3], $0x28, $0x38;
	[tilespmem:$0x1D2C0] =	vst v63  }
0x126: {  	_ =	swait.ge [sflag:s13], $0x28  }
0x127: {  	[sflag:s13] =	ssyncset.done $0x0  }
0x128: {  	[sflag:s13] =	ssyncadd.s32 $0xFFFFFFD8  }
0x129: {  	_ =	swait.ge [sflag:s13], $0x28  }
0x12a: {  	[sflag:s13] =	ssyncset.done $0x0  }
0x12b: {  	s6 =	simm.s32 $0x15;
	[sflag:s13] =	ssyncadd.s32 $0xFFFFFFD8  }
0x12c: {  	[tilespmem:s2], [sflag:$0x12] =	stream.indirect.gather [hbm4b:s1+s8], $0x80, s31, s8, $0xb8;
	[tilespmem:$0x1D2C0] =	vst v63  }
0x12d: {  	_ =	swait.ge [sflag:s6], $0x1400  }
0x12e: {  	[sflag:s6] =	ssyncset.done $0x0  }
0x12f: {  	s19 =	simm.s32 $0x1BEC0;
	s10 =	simm.s32 $0x1A;
	[sflag:s6] =	ssyncadd.s32 $0xFFFFEC00  }
0x130: {  	[spmem:s4] =	stream.indirect.scatter.add.f32 [tilespmem:s19], [sflag:$0x1C], $0x80, s17, s8, $0xb8;
	[tilespmem:$0x1D2C0] =	vst v63  }
0x131: {  	_ =	swait.ge [sflag:s10], $0x1400  }
0x132: {  	s6 =	sld [smem:$0x7EF];
	_ =	sdelay $0x1  }
0x133: {  	[sflag:s10] =	ssyncset.done $0x0  }
0x134: {  	[sflag:s10] =	ssyncadd.s32 $0xFFFFEC00;
	s11 =	sadd.s32 @!p1 s22, s6;
	s6 =	simm.s32 @!p1 $0x13940  }
0x135: {  	[tilespmem:s6], [sflag:$0x2] =	stream.linear.gather @!p1 [hbm4b:s11+s3], $0x28, $0x38;
	[tilespmem:$0x1D2C0] =	vst v63  }
0x136: {  	s11 =	sld [smem:$0x7EE];
	_ =	sdelay $0x2  }
0x137: {  	s13 =	simm.s32 @!p1 $0x14040;
	s11 =	sadd.s32 @!p1 s22, s11  }
0x138: {  	[tilespmem:s13], [sflag:$0x2] =	stream.linear.gather @!p1 [hbm4b:s11+s3], $0x28, $0x38;
	[tilespmem:$0x1D2C0] =	vst v63  }
0x139: {  	s11 =	simm.s32 $0xC  }
0x13a: {  	_ =	swait.ge [sflag:s11], $0x28  }
0x13b: {  	[sflag:s11] =	ssyncset.done $0x0  }
0x13c: {  	[sflag:s11] =	ssyncadd.s32 $0xFFFFFFD8  }
0x13d: {  	_ =	swait.ge [sflag:s11], $0x28  }
0x13e: {  	[sflag:s11] =	ssyncset.done $0x0  }
0x13f: {  	s17 =	simm.s32 $0x196C0;
	[sflag:s11] =	ssyncadd.s32 $0xFFFFFFD8  }
0x140: {  	[tilespmem:s17], [sflag:$0x13] =	stream.indirect.gather [hbm4b:s1+s8], $0x80, s9, s8, $0xb8;
	[tilespmem:$0x1D2C0] =	vst v63  }
0x141: {  	_ =	swait.ge [sflag:s18], $0x1400  }
0x142: {  	[sflag:s18] =	ssyncset.done $0x0  }
0x143: {  	s13 =	simm.s32 $0x1B;
	[sflag:s18] =	ssyncadd.s32 $0xFFFFEC00  }
0x144: {  	[spmem:s4] =	stream.indirect.scatter.add.f32 [tilespmem:s15], [sflag:$0x16], $0x80, s24, s8, $0xb8;
	[tilespmem:$0x1D2C0] =	vst v63  }
0x145: {  	_ =	swait.ge [sflag:s13], $0x1400  }
0x146: {  	[sflag:s13] =	ssyncset.done $0x0  }
0x147: {  	s11 =	simm.s32 @p1 $0x10;
	[sflag:s13] =	ssyncadd.s32 $0xFFFFEC00  }
0x148: {  	_ =	swait.ge @p1 [sflag:s11], $0x1400  }
0x149: {  	s15 =	simm.s32 @p1 $0x15AC0;
	[sflag:s11] =	ssyncset.done @p1 $0x0  }
0x14a: {  	s13 =	simm.s32 @p1 $0x28;
	[sflag:s11] =	ssyncadd.s32 @p1 $0xFFFFEC00;
	s11 =	simm.s32 @p1 $0x143C0  }
0x14b: {  	[spmem:s4] =	stream.indirect.scatter.add.f32 @p1 [tilespmem:s15], [sflag:$0x17], $0x80, s11, s13, $0xb8;
	[tilespmem:$0x1D2C0] =	vst v63  }
0x14c: {  	s11 =	simm.s32 @p1 $0x1C  }
0x14d: {  	_ =	swait.ge @p1 [sflag:s11], $0x1400  }
0x14e: {  	[sflag:s11] =	ssyncset.done @p1 $0x0  }
0x14f: {  	[sflag:s11] =	ssyncadd.s32 @p1 $0xFFFFEC00;
	s11 =	sld [smem:$0x7ED];
	_ =	sdelay $0x2  }
0x150: {  	s15 =	simm.s32 @!p1 $0x139C0;
	s11 =	sadd.s32 @!p1 s22, s11  }
0x151: {  	[tilespmem:s15], [sflag:$0x3] =	stream.linear.gather @!p1 [hbm4b:s11+s3], $0x28, $0x38;
	[tilespmem:$0x1D2C0] =	vst v63  }
0x152: {  	s11 =	sld [smem:$0x7EC];
	_ =	sdelay $0x2  }
0x153: {  	s15 =	simm.s32 @!p1 $0x140C0;
	s11 =	sadd.s32 @!p1 s22, s11  }
0x154: {  	[tilespmem:s15], [sflag:$0x3] =	stream.linear.gather @!p1 [hbm4b:s11+s3], $0x28, $0x38;
	[tilespmem:$0x1D2C0] =	vst v63  }
0x155: {  	s11 =	simm.s32 @!p1 $0xD  }
0x156: {  	_ =	swait.ge @!p1 [sflag:s11], $0x28  }
0x157: {  	[sflag:s11] =	ssyncset.done @!p1 $0x0  }
0x158: {  	[sflag:s11] =	ssyncadd.s32 @!p1 $0xFFFFFFD8  }
0x159: {  	_ =	swait.ge @!p1 [sflag:s11], $0x28  }
0x15a: {  	[sflag:s11] =	ssyncset.done @!p1 $0x0  }
0x15b: {  	s15 =	simm.s32 @!p1 $0x1AAC0;
	[sflag:s11] =	ssyncadd.s32 @!p1 $0xFFFFFFD8;
	s11 =	simm.s32 @!p1 $0x28  }
0x15c: {  	[tilespmem:s15], [sflag:$0x14] =	stream.indirect.gather @!p1 [hbm4b:s1+s11], $0x80, s16, s11, $0xb8;
	[tilespmem:$0x1D2C0] =	vst v63  }
0x15d: {  	s15 =	simm.s32 @!p1 $0x10  }
0x15e: {  	_ =	swait.ge @!p1 [sflag:s15], $0x1400  }
0x15f: {  	[sflag:s15] =	ssyncset.done @!p1 $0x0  }
0x160: {  	s16 =	simm.s32 @!p1 $0x15AC0;
	[sflag:s15] =	ssyncadd.s32 @!p1 $0xFFFFEC00;
	s15 =	simm.s32 @!p1 $0x143C0  }
0x161: {  	[spmem:s4] =	stream.indirect.scatter.add.f32 @!p1 [tilespmem:s16], [sflag:$0x17], $0x80, s15, s11, $0xb8;
	[tilespmem:$0x1D2C0] =	vst v63  }
0x162: {  	s15 =	simm.s32 @!p1 $0x1C  }
0x163: {  	_ =	swait.ge @!p1 [sflag:s15], $0x1400  }
0x164: {  	[sflag:s15] =	ssyncset.done @!p1 $0x0  }
0x165: {  	[sflag:s15] =	ssyncadd.s32 @!p1 $0xFFFFEC00;
	s15 =	sld [smem:$0x7EB];
	_ =	sdelay $0x2  }
0x166: {  	s17 =	simm.s32 @!p1 $0x13A40;
	s15 =	sadd.s32 @!p1 s22, s15  }
0x167: {  	[tilespmem:s17], [sflag:$0x4] =	stream.linear.gather @!p1 [hbm4b:s15+s3], $0x28, $0x38;
	[tilespmem:$0x1D2C0] =	vst v63  }
0x168: {  	s15 =	sld [smem:$0x7EA];
	_ =	sdelay $0x2  }
0x169: {  	s17 =	simm.s32 @!p1 $0x14140;
	s15 =	sadd.s32 @!p1 s22, s15  }
0x16a: {  	[tilespmem:s17], [sflag:$0x4] =	stream.linear.gather @!p1 [hbm4b:s15+s3], $0x28, $0x38;
	[tilespmem:$0x1D2C0] =	vst v63  }
0x16b: {  	s15 =	simm.s32 @!p1 $0xE  }
0x16c: {  	_ =	swait.ge @!p1 [sflag:s15], $0x28  }
0x16d: {  	[sflag:s15] =	ssyncset.done @!p1 $0x0  }
0x16e: {  	[sflag:s15] =	ssyncadd.s32 @!p1 $0xFFFFFFD8  }
0x16f: {  	_ =	swait.ge @!p1 [sflag:s15], $0x28  }
0x170: {  	[sflag:s15] =	ssyncset.done @!p1 $0x0  }
0x171: {  	[sflag:s15] =	ssyncadd.s32 @!p1 $0xFFFFFFD8;
	s15 =	simm.s32 @!p1 $0x1BEC0  }
0x172: {  	[tilespmem:s15], [sflag:$0x15] =	stream.indirect.gather @!p1 [hbm4b:s1+s11], $0x80, s12, s11, $0xb8;
	[tilespmem:$0x1D2C0] =	vst v63  }
0x173: {  	_ =	swait.ge [sflag:s23], $0x1400  }
0x174: {  	[sflag:s23] =	ssyncset.done $0x0  }
0x175: {  	s15 =	simm.s32 $0x14440;
	[sflag:s23] =	ssyncadd.s32 $0xFFFFEC00  }
0x176: {  	[spmem:s4] =	stream.indirect.scatter.add.f32 [tilespmem:s0], [sflag:$0x18], $0x80, s15, s8, $0xb8;
	[tilespmem:$0x1D2C0] =	vst v63  }
0x177: {  	_ =	swait.ge [sflag:s25], $0x1400  }
0x178: {  	[sflag:s25] =	ssyncset.done $0x0  }
0x179: {  	s12 =	simm.s32 @p1 $0x12;
	[sflag:s25] =	ssyncadd.s32 $0xFFFFEC00  }
0x17a: {  	_ =	swait.ge @p1 [sflag:s12], $0x1400  }
0x17b: {  	[sflag:s12] =	ssyncset.done @p1 $0x0  }
0x17c: {  	s15 =	simm.s32 @p1 $0x182C0;
	[sflag:s12] =	ssyncadd.s32 @p1 $0xFFFFEC00;
	s12 =	simm.s32 @p1 $0x144C0  }
0x17d: {  	[spmem:s4] =	stream.indirect.scatter.add.f32 @p1 [tilespmem:s15], [sflag:$0x19], $0x80, s12, s13, $0xb8;
	[tilespmem:$0x1D2C0] =	vst v63  }
0x17e: {  	s12 =	simm.s32 @p1 $0x17  }
0x17f: {  	_ =	swait.ge @p1 [sflag:s12], $0x1400  }
0x180: {  	[sflag:s12] =	ssyncset.done @p1 $0x0  }
0x181: {  	[sflag:s12] =	ssyncadd.s32 @p1 $0xFFFFEC00;
	s12 =	sld [smem:$0x7E9];
	_ =	sdelay $0x2  }
0x182: {  	s13 =	simm.s32 @!p1 $0x13AC0;
	s12 =	sadd.s32 @!p1 s22, s12  }
0x183: {  	[tilespmem:s13], [sflag:$0x5] =	stream.linear.gather @!p1 [hbm4b:s12+s3], $0x28, $0x38;
	[tilespmem:$0x1D2C0] =	vst v63  }
0x184: {  	s12 =	sld [smem:$0x7E8];
	_ =	sdelay $0x2  }
0x185: {  	s13 =	simm.s32 @!p1 $0x141C0;
	s12 =	sadd.s32 @!p1 s22, s12  }
0x186: {  	[tilespmem:s13], [sflag:$0x5] =	stream.linear.gather @!p1 [hbm4b:s12+s3], $0x28, $0x38;
	[tilespmem:$0x1D2C0] =	vst v63  }
0x187: {  	s12 =	simm.s32 @!p1 $0x1  }
0x188: {  	_ =	swait.ge @!p1 [sflag:s12], $0x28  }
0x189: {  	[sflag:s12] =	ssyncset.done @!p1 $0x0  }
0x18a: {  	[sflag:s12] =	ssyncadd.s32 @!p1 $0xFFFFFFD8  }
0x18b: {  	_ =	swait.ge @!p1 [sflag:s12], $0x28  }
0x18c: {  	[sflag:s12] =	ssyncset.done @!p1 $0x0  }
0x18d: {  	[sflag:s12] =	ssyncadd.s32 @!p1 $0xFFFFFFD8;
	s12 =	simm.s32 @!p1 $0x146C0  }
0x18e: {  	[tilespmem:s12], [sflag:$0xF] =	stream.indirect.gather @!p1 [hbm4b:s1+s11], $0x80, s14, s11, $0xb8;
	[tilespmem:$0x1D2C0] =	vst v63  }
0x18f: {  	s12 =	simm.s32 @!p1 $0x12  }
0x190: {  	_ =	swait.ge @!p1 [sflag:s12], $0x1400  }
0x191: {  	[sflag:s12] =	ssyncset.done @!p1 $0x0  }
0x192: {  	s13 =	simm.s32 @!p1 $0x182C0;
	[sflag:s12] =	ssyncadd.s32 @!p1 $0xFFFFEC00;
	s12 =	simm.s32 @!p1 $0x144C0  }
0x193: {  	[spmem:s4] =	stream.indirect.scatter.add.f32 @!p1 [tilespmem:s13], [sflag:$0x19], $0x80, s12, s11, $0xb8;
	[tilespmem:$0x1D2C0] =	vst v63  }
0x194: {  	s12 =	simm.s32 @!p1 $0x17  }
0x195: {  	_ =	swait.ge @!p1 [sflag:s12], $0x1400  }
0x196: {  	[sflag:s12] =	ssyncset.done @!p1 $0x0  }
0x197: {  	[sflag:s12] =	ssyncadd.s32 @!p1 $0xFFFFEC00;
	s12 =	sld [smem:$0x7E7];
	_ =	sdelay $0x2  }
0x198: {  	s13 =	simm.s32 @!p1 $0x13B40;
	s12 =	sadd.s32 @!p1 s22, s12  }
0x199: {  	[tilespmem:s13], [sflag:$0x6] =	stream.linear.gather @!p1 [hbm4b:s12+s3], $0x28, $0x38;
	[tilespmem:$0x1D2C0] =	vst v63  }
0x19a: {  	s12 =	sld [smem:$0x7E6];
	_ =	sdelay $0x2  }
0x19b: {  	s13 =	simm.s32 @!p1 $0x14240;
	s12 =	sadd.s32 @!p1 s22, s12  }
0x19c: {  	[tilespmem:s13], [sflag:$0x6] =	stream.linear.gather @!p1 [hbm4b:s12+s3], $0x28, $0x38;
	[tilespmem:$0x1D2C0] =	vst v63  }
0x19d: {  	s3 =	simm.s32 @!p1 $0x2  }
0x19e: {  	_ =	swait.ge @!p1 [sflag:s3], $0x28  }
0x19f: {  	[sflag:s3] =	ssyncset.done @!p1 $0x0  }
0x1a0: {  	[sflag:s3] =	ssyncadd.s32 @!p1 $0xFFFFFFD8  }
0x1a1: {  	_ =	swait.ge @!p1 [sflag:s3], $0x28  }
0x1a2: {  	[sflag:s3] =	ssyncset.done @!p1 $0x0  }
0x1a3: {  	[sflag:s3] =	ssyncadd.s32 @!p1 $0xFFFFFFD8  }
0x1a4: {  	[tilespmem:s16], [sflag:$0x10] =	stream.indirect.gather @!p1 [hbm4b:s1+s11], $0x80, s6, s11, $0xb8;
	[tilespmem:$0x1D2C0] =	vst v63  }
0x1a5: {  	s30 =	simm.s32 $0x15AC0;
	_ =	swait.ge [sflag:s28], $0x1400  }
0x1a6: {  	s20 =	simm.s32 $0x13BC0;
	s17 =	simm.s32 $0x14540;
	[sflag:s28] =	ssyncset.done $0x0  }
.Ltmp2:
0x1a7: {  	s13 =	simm.s32 $0x196C0;
	[sflag:s28] =	ssyncadd.s32 $0xFFFFEC00;
	(pc) =	sbr.rel @p1 .LBB2_4-.Ltmp2, $4  }
0x1a8: {  	[spmem:s4] =	stream.indirect.scatter.add.f32 [tilespmem:s13], [sflag:$0x1A], $0x80, s17, s8, $0xb8;
	[tilespmem:$0x1D2C0] =	vst v63  }
0x1a9: {  	s29 =	simm.s32 $0x14340;
	s2 =	simm.s32 $0x182C0;
	_ =	swait.ge [sflag:s7], $0x1400  }
0x1aa: {  	s31 =	simm.s32 $0x146C0;
	s10 =	simm.s32 $0x1AAC0;
	[sflag:s7] =	ssyncset.done $0x0  }
0x1ab: {  	s18 =	simm.s32 $0x13CC0;
	s24 =	simm.s32 $0x142C0;
	[sflag:s7] =	ssyncadd.s32 $0xFFFFEC00  }
0x1ac: {  	s3 =	sld [smem:$0x7E5];
	_ =	sdelay $0x2  }
0x1ad: {  	s3 =	sadd.s32 s22, s3  }
0x1ae: {  	[tilespmem:s20], [sflag:$0x7] =	stream.linear.gather [hbm4b:s3+s5], $0x28, $0x38;
	[tilespmem:$0x1D2C0] =	vst v63  }
0x1af: {  	s20 =	sld [smem:$0x7E4];
	_ =	sdelay $0x2  }
0x1b0: {  	s30 =	simm.s32 $0x3;
	s3 =	sadd.s32 s22, s20  }
0x1b1: {  	[tilespmem:s24], [sflag:$0x7] =	stream.linear.gather [hbm4b:s3+s5], $0x28, $0x38;
	[tilespmem:$0x1D2C0] =	vst v63  }
0x1b2: {  	_ =	swait.ge [sflag:s30], $0x28  }
0x1b3: {  	[sflag:s30] =	ssyncset.done $0x0  }
0x1b4: {  	[sflag:s30] =	ssyncadd.s32 $0xFFFFFFD8  }
0x1b5: {  	_ =	swait.ge [sflag:s30], $0x28  }
0x1b6: {  	[sflag:s30] =	ssyncset.done $0x0  }
0x1b7: {  	s31 =	simm.s32 $0x139C0;
	s3 =	simm.s32 $0x14;
	[sflag:s30] =	ssyncadd.s32 $0xFFFFFFD8  }
0x1b8: {  	[tilespmem:s0], [sflag:$0x11] =	stream.indirect.gather [hbm4b:s1+s8], $0x80, s31, s8, $0xb8;
	[tilespmem:$0x1D2C0] =	vst v63  }
0x1b9: {  	_ =	swait.ge [sflag:s3], $0x1400  }
0x1ba: {  	[sflag:s3] =	ssyncset.done $0x0  }
0x1bb: {  	s6 =	simm.s32 $0x145C0;
	s9 =	simm.s32 $0x19;
	[sflag:s3] =	ssyncadd.s32 $0xFFFFEC00  }
0x1bc: {  	[spmem:s4] =	stream.indirect.scatter.add.f32 [tilespmem:s10], [sflag:$0x1B], $0x80, s6, s8, $0xb8;
	[tilespmem:$0x1D2C0] =	vst v63  }
0x1bd: {  	_ =	swait.ge [sflag:s9], $0x1400  }
0x1be: {  	s10 =	sld [smem:$0x7E3];
	_ =	sdelay $0x1  }
0x1bf: {  	[sflag:s9] =	ssyncset.done $0x0;
	s12 =	sld [smem:$0x7E2]  }
0x1c0: {  	s11 =	simm.s32 $0x13C40;
	[sflag:s9] =	ssyncadd.s32 $0xFFFFEC00;
	s3 =	sadd.s32 s22, s10  }
0x1c1: {  	[tilespmem:s11], [sflag:$0x8] =	stream.linear.gather [hbm4b:s3+s5], $0x28, $0x38;
	[tilespmem:$0x1D2C0] =	vst v63  }
0x1c2: {  	s14 =	simm.s32 $0x4;
	s3 =	sadd.s32 s22, s12  }
0x1c3: {  	[tilespmem:s29], [sflag:$0x8] =	stream.linear.gather [hbm4b:s3+s5], $0x28, $0x38;
	[tilespmem:$0x1D2C0] =	vst v63  }
0x1c4: {  	_ =	swait.ge [sflag:s14], $0x28  }
0x1c5: {  	[sflag:s14] =	ssyncset.done $0x0  }
0x1c6: {  	[sflag:s14] =	ssyncadd.s32 $0xFFFFFFD8  }
0x1c7: {  	_ =	swait.ge [sflag:s14], $0x28  }
0x1c8: {  	[sflag:s14] =	ssyncset.done $0x0  }
0x1c9: {  	s15 =	simm.s32 $0x13A40;
	s16 =	simm.s32 $0x15;
	[sflag:s14] =	ssyncadd.s32 $0xFFFFFFD8  }
0x1ca: {  	[tilespmem:s2], [sflag:$0x12] =	stream.indirect.gather [hbm4b:s1+s8], $0x80, s15, s8, $0xb8;
	[tilespmem:$0x1D2C0] =	vst v63  }
0x1cb: {  	_ =	swait.ge [sflag:s16], $0x1400  }
0x1cc: {  	[sflag:s16] =	ssyncset.done $0x0  }
0x1cd: {  	s17 =	simm.s32 $0x14640;
	[sflag:s16] =	ssyncadd.s32 $0xFFFFEC00  }
0x1ce: {  	[spmem:s4] =	stream.indirect.scatter.add.f32 [tilespmem:s19], [sflag:$0x1C], $0x80, s17, s8, $0xb8;
	[tilespmem:$0x1D2C0] =	vst v63  }
0x1cf: {  	s19 =	simm.s32 $0x1A  }
0x1d0: {  	s26 =	sadd.s32 $0x230, s26;
	_ =	swait.ge [sflag:s19], $0x1400  }
0x1d1: {  	s30 =	simm.s32 $0x5;
	[sflag:s19] =	ssyncset.done $0x0;
	s20 =	rddreg [dreg:$0x1f]  }
0x1d2: {  	s24 =	rddreg [dreg:$0x1e];
	[sflag:s19] =	ssyncadd.s32 $0xFFFFEC00;
	s3 =	sadd.s32 s22, s20  }
0x1d3: {  	[tilespmem:s18], [sflag:$0x9] =	stream.linear.gather [hbm4b:s3+s5], $0x28, $0x38;
	[tilespmem:$0x1D2C0] =	vst v63  }
0x1d4: {  	s31 =	simm.s32 $0x13AC0;
	s6 =	simm.s32 $0x143C0;
	s3 =	sadd.s32 s22, s24  }
0x1d5: {  	[tilespmem:s6], [sflag:$0x9] =	stream.linear.gather [hbm4b:s3+s5], $0x28, $0x38;
	[tilespmem:$0x1D2C0] =	vst v63  }
0x1d6: {  	s0 =	simm.s32 $0x16EC0;
	s10 =	simm.s32 $0x1AAC0;
	_ =	swait.ge [sflag:s30], $0x28  }
0x1d7: {  	s29 =	simm.s32 $0x13CC0;
	s2 =	simm.s32 $0x182C0;
	[sflag:s30] =	ssyncset.done $0x0  }
.Ltmp3:
0x1d8: {  	s16 =	simm.s32 $0x13BC0;
	[sflag:s30] =	ssyncadd.s32 $0xFFFFFFD8;
	(pc) =	sbr.rel .LBB2_2-.Ltmp3, $4  }
0x1d9: {  	s17 =	simm.s32 $0x142C0;
	s20 =	simm.s32 $0x13C40;
	_ =	swait.ge [sflag:s30], $0x28  }
0x1da: {  	s19 =	simm.s32 $0x1BEC0;
	s22 =	sadd.s32 $0x46, s22;
	[sflag:s30] =	ssyncset.done $0x0  }
0x1db: {  	s24 =	simm.s32 $0x14340;
	s6 =	sadd.s32 $0xE, s21;
	[sflag:s30] =	ssyncadd.s32 $0xFFFFFFD8  }
0x1dc: {  	[tilespmem:s13], [sflag:$0x13] =	stream.indirect.gather [hbm4b:s1+s8], $0x80, s31, s8, $0xb8;
	[tilespmem:$0x1D2C0] =	vst v63  }
.LBB2_5:
0x1dd: {  	_ =	sfence.sel $0x180000  }
0x1de: {  	[bflag:$0x0] =	sbarrier.arrive $0xFFFF  }
0x1df: {  	_ =	strace $0x90000047  }
0x1e0: {  	s0 =	stileid.u32;
	[bflag:$0x2] =	sbarrier.arrive $0xFFFF  }
0x1e1: {  	p0 =	sne.s32 s0, $0x0;
	s0 =	rddreg [dreg:$0x4]  }
0x1e2: {  	s0 =	sadd.s32 @!p0 $0x100000, s0  }
0x1e3: {  	[sflag:s0] =	ssyncadd.tile.s32 @!p0 $0x1;
	_ =	shalt  }
.Lfunc_end2:
_tile_overlayer_lowered:
.L_overlay_start_2:
0x1e4: {  	(tag) =	ssettag $0x2  }
0x1e5: {  	s0 =	rddreg [dreg:$0x0];
	s2 =	stileid.u32  }
0x1e6: {  	s1 =	rddreg [dreg:$0x1];
	p0 =	sne.s32 s2, $0x0  }
0x1e7: {  	s3 =	rddreg [dreg:$0x2];
	[bflag:$0x3] =	sbarrier.arrive $0xFFFF;
	s2 =	simm.s32 @!p0 $0x1C1E  }
0x1e8: {  	[timem:s3], [sflag:s2] =	dma.local @!p0 [hbm:s0], s1  }
0x1e9: {  	s0 =	simm.s32 @!p0 $0x1E  }
0x1ea: {  	_ =	swait.ge @!p0 [sflag:s0], s1  }
0x1eb: {  	s1 =	ssub.s32 @!p0 $0x0, s1;
	[sflag:s0] =	ssyncset.done @!p0 $0x0  }
0x1ec: {  	[sflag:s0] =	ssyncadd.s32 @!p0 s1  }
0x1ed: {  	[bflag:$0x3] =	sbarrier.arrive $0xFFFF  }
0x1ee: {  	_ =	shalt  }

</sc_bundles>
